<compile_context>
chip_gen: v7x
topology: tpu7x:2x2x1
jax: 0.10.2.dev20260603
libtpu: 0.0.44.dev20260713+nightly
codegen_flags: <defaults>
</compile_context>

<pallas_src>
import functools

import jax
import jax.numpy as jnp
from jax import lax
from jax.experimental import pallas as pl
from jax.experimental.pallas import tpu as pltpu
from jax.experimental.pallas import tpu_sc as plsc

N = 10000
E = 160000
IN = 128
EDIM = 16
HID = 8
OUT = 64
HDIM = 64
NA = 8

NC = 2
NS = 16
NW = NC * NS
CHUNK = 128
NCHUNK = 2
EC = E // NCHUNK
TC_ = EC // CHUNK
MSGW = 128


@functools.lru_cache(maxsize=None)
def _sc_mesh():
    return plsc.VectorSubcoreMesh(
        core_axis_name="c", subcore_axis_name="s", num_cores=NC, num_subcores=NS)


def _gather_body(tbase, ei_hbm, x_hbm, out,
                 idx0, idx1, rows0, rows1, sem0, sem1):
    cid = lax.axis_index("c")
    sid = lax.axis_index("s")
    wid = sid * NC + cid
    idx = (idx0, idx1)
    rows = (rows0, rows1)
    sems = (sem0, sem1)

    def start(j, p):
        t = j * NW + wid

        @pl.when(t < TC_)
        def _():
            pltpu.sync_copy(ei_hbm.at[0, pl.ds((tbase + t) * CHUNK, CHUNK)], idx[p])
            pltpu.async_copy(x_hbm.at[idx[p]], rows[p], sems[p])

    def finish(j, p):
        t = j * NW + wid

        @pl.when(t < TC_)
        def _():
            pltpu.make_async_copy(x_hbm.at[idx[p]], rows[p], sems[p]).wait()
            pltpu.sync_copy(rows[p], out.at[pl.ds(t * CHUNK, CHUNK)])

    nit = -(-TC_ // NW)
    start(0, 0)

    def body(j, carry):
        @pl.when(j % 2 == 0)
        def _():
            start(j + 1, 1)
            finish(j, 0)

        @pl.when(j % 2 == 1)
        def _():
            start(j + 1, 0)
            finish(j, 1)

        return carry

    lax.fori_loop(0, nit, body, 0)


@functools.lru_cache(maxsize=None)
def _gather(k):
    return pl.kernel(
        functools.partial(_gather_body, k * TC_),
        out_type=jax.ShapeDtypeStruct((EC, IN), jnp.float32),
        mesh=_sc_mesh(),
        scratch_types=[
            pltpu.VMEM((CHUNK,), jnp.int32),
            pltpu.VMEM((CHUNK,), jnp.int32),
            pltpu.VMEM((CHUNK, IN), jnp.float32),
            pltpu.VMEM((CHUNK, IN), jnp.float32),
            pltpu.SemaphoreType.DMA,
            pltpu.SemaphoreType.DMA,
        ],
    )


def _scatter_body(tbase, ei_hbm, msg_hbm, init_hbm, out,
                  idx0, idx1, rows0, rows1, agg_sh, sem0, sem1):
    cid = lax.axis_index("c")
    sid = lax.axis_index("s")
    wid = sid * NC + cid
    idx = (idx0, idx1)
    rows = (rows0, rows1)
    sems = (sem0, sem1)

    @pl.when(sid == 0)
    def _():
        pltpu.sync_copy(init_hbm.at[cid], agg_sh)

    plsc.subcore_barrier()

    def start(j, p):
        t = j * NW + wid

        @pl.when(t < TC_)
        def _():
            pltpu.sync_copy(ei_hbm.at[1, pl.ds((tbase + t) * CHUNK, CHUNK)], idx[p])
            pltpu.async_copy(msg_hbm.at[pl.ds(t * CHUNK, CHUNK)], rows[p], sems[p])

    def finish(j, p):
        t = j * NW + wid

        @pl.when(t < TC_)
        def _():
            pltpu.make_async_copy(
                msg_hbm.at[pl.ds(t * CHUNK, CHUNK)], rows[p], sems[p]).wait()
            pltpu.sync_copy(rows[p], agg_sh.at[idx[p]], add=True)

    nit = -(-TC_ // NW)
    start(0, 0)

    def body(j, carry):
        @pl.when(j % 2 == 0)
        def _():
            start(j + 1, 1)
            finish(j, 0)

        @pl.when(j % 2 == 1)
        def _():
            start(j + 1, 0)
            finish(j, 1)

        return carry

    lax.fori_loop(0, nit, body, 0)
    plsc.subcore_barrier()

    @pl.when(sid == 0)
    def _():
        pltpu.sync_copy(agg_sh, out.at[cid])


@functools.lru_cache(maxsize=None)
def _scatter(k):
    return pl.kernel(
        functools.partial(_scatter_body, k * TC_),
        out_type=jax.ShapeDtypeStruct((NC, N, MSGW), jnp.float32),
        mesh=_sc_mesh(),
        scratch_types=[
            pltpu.VMEM((CHUNK,), jnp.int32),
            pltpu.VMEM((CHUNK,), jnp.int32),
            pltpu.VMEM((CHUNK, MSGW), jnp.float32),
            pltpu.VMEM((CHUNK, MSGW), jnp.float32),
            pltpu.VMEM_SHARED((N, MSGW), jnp.float32),
            pltpu.SemaphoreType.DMA,
            pltpu.SemaphoreType.DMA,
        ],
    )


BE = 2000


def _edge_body(xs_ref, ea_ref, w_ref, b_ref, s_ref, out_ref):
    t = jnp.dot(ea_ref[...], w_ref[...],
                preferred_element_type=jnp.float32).astype(jnp.bfloat16)
    t = jnp.maximum(t + b_ref[...], jnp.bfloat16(0.0))
    xs = xs_ref[...].astype(jnp.bfloat16)
    u = jnp.concatenate([xs] * HID, axis=1) * t
    out_ref[...] = jnp.dot(u, s_ref[...], preferred_element_type=jnp.float32)


def _edge_msg(k, x_src, edge_attr, w1om, b1om, sel):
    koff = k * (EC // BE)
    return pl.pallas_call(
        _edge_body,
        grid=(EC // BE,),
        in_specs=[
            pl.BlockSpec((BE, IN), lambda i: (i, 0)),
            pl.BlockSpec((BE, EDIM), lambda i: (koff + i, 0)),
            pl.BlockSpec((EDIM, IN * HID), lambda i: (0, 0)),
            pl.BlockSpec((1, IN * HID), lambda i: (0, 0)),
            pl.BlockSpec((IN * HID, MSGW), lambda i: (0, 0)),
        ],
        out_specs=pl.BlockSpec((BE, MSGW), lambda i: (i, 0)),
        out_shape=jax.ShapeDtypeStruct((EC, MSGW), jnp.float32),
        compiler_params=pltpu.CompilerParams(
            dimension_semantics=("arbitrary",)),
    )(x_src, edge_attr, w1om, b1om, sel)


BN = 1000


def _node_body(x_ref, agg_ref, root_ref, bconv_ref, gamma_ref, beta_ref,
               wlin_ref, blin_ref, wq1_ref, bq1_ref, wq2_ref, bq2_ref, out_ref):
    h = (agg_ref[0, :, :HID] + agg_ref[1, :, :HID] + bconv_ref[...]
         + jnp.dot(x_ref[...], root_ref[...], preferred_element_type=jnp.float32))
    mu = jnp.mean(h, axis=1, keepdims=True)
    var = jnp.mean(jnp.square(h - mu), axis=1, keepdims=True)
    h = (h - mu) * lax.rsqrt(var + 1e-5) * gamma_ref[...] + beta_ref[...]
    h = jnp.maximum(h, 0.0)
    h = jnp.dot(h, wlin_ref[...], preferred_element_type=jnp.float32) + blin_ref[...]
    h = jnp.maximum(
        jnp.dot(h, wq1_ref[...], preferred_element_type=jnp.float32) + bq1_ref[...], 0.0)
    out_ref[...] = (jnp.dot(h, wq2_ref[...], preferred_element_type=jnp.float32)
                    + bq2_ref[...])


def _node_head(x, agg, rootw, bconv, gamma, beta, wlin, blin, wq1, bq1, wq2, bq2):
    full = lambda r, c: pl.BlockSpec((r, c), lambda i: (0, 0))
    return pl.pallas_call(
        _node_body,
        grid=(N // BN,),
        in_specs=[
            pl.BlockSpec((BN, IN), lambda i: (i, 0)),
            pl.BlockSpec((NC, BN, MSGW), lambda i: (0, i, 0)),
            full(IN, HID), full(1, HID), full(1, HID), full(1, HID),
            full(HID, OUT), full(1, OUT),
            full(OUT, HDIM), full(1, HDIM),
            full(HDIM, NA), full(1, NA),
        ],
        out_specs=pl.BlockSpec((BN, NA), lambda i: (i, 0)),
        out_shape=jax.ShapeDtypeStruct((N, NA), jnp.float32),
    )(x, agg, rootw, bconv, gamma, beta, wlin, blin, wq1, bq1, wq2, bq2)


def kernel(x, edge_index, edge_attr, W1, b1, root, bconv, gamma, beta,
           Wlin, blin, Wq1, bq1, Wq2, bq2):

    w1om = W1.reshape(IN, HID, EDIM).transpose(1, 0, 2).reshape(IN * HID, EDIM).T
    b1om = b1.reshape(IN, HID).T.reshape(1, IN * HID)
    w1om = w1om.astype(jnp.bfloat16)
    b1om = b1om.astype(jnp.bfloat16)
    col = jnp.arange(IN * HID, dtype=jnp.int32) // IN
    sel = (col[:, None] == jnp.arange(MSGW, dtype=jnp.int32)[None, :])
    sel = sel.astype(jnp.bfloat16)

    agg = jnp.zeros((NC, N, MSGW), jnp.float32)
    x_srcs = [_gather(k)(edge_index, x) for k in range(NCHUNK)]
    ea_bf = edge_attr.astype(jnp.bfloat16)
    msgs = [_edge_msg(k, x_srcs[k], ea_bf, w1om, b1om, sel)
            for k in range(NCHUNK)]
    for k in range(NCHUNK):
        agg = _scatter(k)(edge_index, msgs[k], agg)

    q = _node_head(x, agg, root, bconv.reshape(1, HID),
                   gamma.reshape(1, HID), beta.reshape(1, HID),
                   Wlin.T, blin.reshape(1, OUT), Wq1.T, bq1.reshape(1, HDIM),
                   Wq2.T, bq2.reshape(1, NA))
    return q

# --- scband reference (transcript-rebuilt; emitter-appended) ---
"""Pipeline reference for scband-discrete-agent-16363825398403 (READ-ONLY COPY).

The authoritative reference and input builder live on the scoring server;
editing this copy changes nothing except your own understanding.
"""

import jax, jax.numpy as jnp
import numpy as np

N = 10000
E = 160000
IN = 128
EDIM = 16
HID = 8
OUT = 64
HDIM = 64
NA = 8


def setup_inputs(seed: int = 0) -> dict:
    key = jax.random.key(seed)
    ks = jax.random.split(key, 16)
    x = jax.random.normal(ks[0], (N, IN), dtype=jnp.float32)
    edge_index = jax.random.randint(ks[1], (2, E), 0, N, dtype=jnp.int32)
    edge_attr = jax.random.normal(ks[2], (E, EDIM), dtype=jnp.float32)
    # edge_nn: Linear(EDIM -> IN*HID) + ReLU
    W1 = jax.random.normal(ks[3], (IN * HID, EDIM), dtype=jnp.float32) / np.sqrt(EDIM)
    b1 = jnp.zeros((IN * HID,), dtype=jnp.float32)
    # NNConv root weight [IN, HID] and bias [HID]
    root = jax.random.normal(ks[4], (IN, HID), dtype=jnp.float32) / np.sqrt(IN)
    bconv = jnp.zeros((HID,), dtype=jnp.float32)
    # LayerNorm(HID)
    gamma = jnp.ones((HID,), dtype=jnp.float32)
    beta = jnp.zeros((HID,), dtype=jnp.float32)
    # lin: Linear(HID -> OUT)
    Wlin = jax.random.normal(ks[5], (OUT, HID), dtype=jnp.float32) / np.sqrt(HID)
    blin = jnp.zeros((OUT,), dtype=jnp.float32)
    # q_head depth=2 MLP: Linear(OUT -> HDIM), ReLU, Linear(HDIM -> NA)
    Wq1 = jax.random.normal(ks[6], (HDIM, OUT), dtype=jnp.float32) / np.sqrt(OUT)
    bq1 = jnp.zeros((HDIM,), dtype=jnp.float32)
    Wq2 = jax.random.normal(ks[7], (NA, HDIM), dtype=jnp.float32) / np.sqrt(HDIM)
    bq2 = jnp.zeros((NA,), dtype=jnp.float32)
    return {"x": x, "edge_index": edge_index, "edge_attr": edge_attr,
            "W1": W1, "b1": b1, "root": root, "bconv": bconv,
            "gamma": gamma, "beta": beta, "Wlin": Wlin, "blin": blin,
            "Wq1": Wq1, "bq1": bq1, "Wq2": Wq2, "bq2": bq2}


def reference(x, edge_index, edge_attr, W1, b1, root, bconv, gamma, beta,
              Wlin, blin, Wq1, bq1, Wq2, bq2):
    src = edge_index[0]
    dst = edge_index[1]
    # edge_nn -> per-edge weight matrix [E, IN, HID]
    we = jax.nn.relu(edge_attr @ W1.T + b1).reshape(E, IN, HID)
    # NNConv message: x_src (gather) times per-edge weight
    x_src = jnp.take(x, src, axis=0)
    msg = jnp.einsum('ei,eio->eo', x_src, we)
    # aggregate (scatter-add) at destination nodes
    agg = jax.ops.segment_sum(msg, dst, num_segments=N)
    h = agg + x @ root + bconv
    # LayerNorm
    mu = jnp.mean(h, axis=-1, keepdims=True)
    var = jnp.var(h, axis=-1, keepdims=True)
    h = (h - mu) / jnp.sqrt(var + 1e-5) * gamma + beta
    h = jax.nn.relu(h)
    h = h @ Wlin.T + blin
    # q_head MLP
    q = jax.nn.relu(h @ Wq1.T + bq1) @ Wq2.T + bq2
    return q.reshape(-1, NA)

if __name__ == "__main__":
    import jax
    _d = setup_inputs()
    print(jax.jit(kernel)(*tuple(_d.values())))

</pallas_src>

<mosaic_0001>
#map = affine_map<(d0, d1) -> (0, 0)>
module attributes {stable_mosaic.version = 14 : i64} {
  func.func @_gather_body(%arg0: i32, %arg1: i32, %arg2: memref<2x160000xi32, #tpu.memory_space<hbm>>, %arg3: memref<10000x128xf32, #tpu.memory_space<hbm>>, %arg4: memref<80000x128xf32, #tpu.memory_space<hbm>>, %arg5: memref<128xi32, #tpu.memory_space<vmem>>, %arg6: memref<128xi32, #tpu.memory_space<vmem>>, %arg7: memref<128x128xf32, #tpu.memory_space<vmem>>, %arg8: memref<128x128xf32, #tpu.memory_space<vmem>>, %arg9: memref<!tpu.dma_semaphore, #tpu.memory_space<semaphore_mem>>, %arg10: memref<!tpu.dma_semaphore, #tpu.memory_space<semaphore_mem>>) attributes {dimension_semantics = [#tpu.dimension_semantics<core_parallel>, #tpu.dimension_semantics<subcore_parallel>], iteration_bounds = array<i64: 2, 16>, scalar_prefetch = 0 : i64, scratch_operands = 6 : i64, tpu.core_type = #tpu.core_type<sc_vector_subcore>, window_params = [{transform_indices = #map}, {transform_indices = #map}, {transform_indices = #map}]} {
    %mul3A = arith.constant 2 : i32
    %mul3A_0 = arith.muli %arg1, %mul3A : i32
    %add3A = arith.addi %mul3A_0, %arg0 : i32
    %add3A_1 = arith.constant 0 : i32
    %add3A_2 = arith.addi %add3A_1, %add3A : i32
    %lt3A = arith.constant 625 : i32
    %lt3A_3 = arith.cmpi slt, %add3A_2, %lt3A : i32
    %convert_element_type3A = arith.extui %lt3A_3 : i1 to i32
    %cond3A = arith.constant 0 : i32
    %cond3A_4 = arith.cmpi ne, %convert_element_type3A, %cond3A : i32
    scf.if %cond3A_4 {
      %add3A_10 = arith.constant 625 : i32
      %add3A_11 = arith.addi %add3A_10, %add3A_2 : i32
      %mul3A_12 = arith.constant 128 : i32
      %mul3A_13 = arith.muli %add3A_11, %mul3A_12 : i32
      %run_scoped3A = arith.constant 0 : i32
      "tpu.region"() ({
        %run_scoped3A_16 = tpu.sem_alloc : memref<!tpu.dma_semaphore, #tpu.memory_space<semaphore_mem>>
        %dma_start3A_17 = tpu.memref_slice %arg2[%run_scoped3A, %mul3A_13] : memref<2x160000xi32, #tpu.memory_space<hbm>> -> memref<1x128xi32, #tpu.memory_space<hbm>>
        %dma_start3A_18 = tpu.memref_squeeze %dma_start3A_17 : memref<1x128xi32, #tpu.memory_space<hbm>> -> memref<128xi32, #tpu.memory_space<hbm>>
        %dma_start3A_19 = tpu.memref_slice %arg2[%run_scoped3A, %mul3A_13] : memref<2x160000xi32, #tpu.memory_space<hbm>> -> memref<1x128xi32, #tpu.memory_space<hbm>>
        %dma_start3A_20 = tpu.memref_squeeze %dma_start3A_19 : memref<1x128xi32, #tpu.memory_space<hbm>> -> memref<128xi32, #tpu.memory_space<hbm>>
        tpu.enqueue_dma source(%dma_start3A_20 : memref<128xi32, #tpu.memory_space<hbm>>) target(%arg5 : memref<128xi32, #tpu.memory_space<vmem>>) target_semaphore(%run_scoped3A_16 : memref<!tpu.dma_semaphore, #tpu.memory_space<semaphore_mem>>)
        %dma_wait3A = tpu.memref_slice %arg2[%run_scoped3A, %mul3A_13] : memref<2x160000xi32, #tpu.memory_space<hbm>> -> memref<1x128xi32, #tpu.memory_space<hbm>>
        %dma_wait3A_21 = tpu.memref_squeeze %dma_wait3A : memref<1x128xi32, #tpu.memory_space<hbm>> -> memref<128xi32, #tpu.memory_space<hbm>>
        %dma_wait3A_22 = tpu.memref_slice %arg2[%run_scoped3A, %mul3A_13] : memref<2x160000xi32, #tpu.memory_space<hbm>> -> memref<1x128xi32, #tpu.memory_space<hbm>>
        %dma_wait3A_23 = tpu.memref_squeeze %dma_wait3A_22 : memref<1x128xi32, #tpu.memory_space<hbm>> -> memref<128xi32, #tpu.memory_space<hbm>>
        tpu.wait_dma2 semaphore(%run_scoped3A_16 : memref<!tpu.dma_semaphore, #tpu.memory_space<semaphore_mem>>) src(%dma_wait3A_23 : memref<128xi32, #tpu.memory_space<hbm>>) dst(%arg5 : memref<128xi32, #tpu.memory_space<vmem>>)
        tpu.yield
      }) : () -> ()
      %dma_start3A = arith.constant 0 : i32
      %dma_start3A_14 = arith.constant 0 : i32
      %dma_start3A_15 = tpu.memref_slice %arg3[%dma_start3A, %dma_start3A_14] : memref<10000x128xf32, #tpu.memory_space<hbm>> -> memref<10000x128xf32, #tpu.memory_space<hbm>>
      tpu.enqueue_indirect_dma source(%dma_start3A_15 : memref<10000x128xf32, #tpu.memory_space<hbm>>) target(%arg7 : memref<128x128xf32, #tpu.memory_space<vmem>>) offsets(%arg5 : memref<128xi32, #tpu.memory_space<vmem>>) semaphore(%arg9 : memref<!tpu.dma_semaphore, #tpu.memory_space<semaphore_mem>>)
    } else {
    }
    %scan3A = arith.constant 0 : i32
    %scan3A_5 = arith.constant 0 : i32
    %scan3A_6 = arith.constant 20 : i32
    %scan3A_7 = arith.addi %scan3A_5, %scan3A_6 : i32
    %scan3A_8 = arith.constant 1 : i32
    scf.for %scan3A_10 = %scan3A_5 to %scan3A_7 step %scan3A_8  : i32 {
      %jit3A = arith.constant 2 : i32
      %eq3A = arith.constant 0 : i32
      %eq3A_11 = arith.cmpi eq, %jit3A, %eq3A : i32
      %jit3A_12 = arith.constant 1 : i32
      %select_n3A = arith.select %eq3A_11, %jit3A_12, %jit3A : i32
      %rem3A = arith.remsi %scan3A_10, %select_n3A : i32
      %ne3A = arith.constant 0 : i32
      %ne3A_13 = arith.cmpi ne, %rem3A, %ne3A : i32
      %lt3A_14 = arith.constant 0 : i32
      %lt3A_15 = arith.cmpi slt, %rem3A, %lt3A_14 : i32
      %lt3A_16 = arith.constant 0 : i32
      %lt3A_17 = arith.cmpi slt, %select_n3A, %lt3A_16 : i32
      %ne3A_18 = arith.xori %lt3A_15, %lt3A_17 : i1
      %and3A = arith.andi %ne3A_18, %ne3A_13 : i1
      %add3A_19 = arith.addi %rem3A, %select_n3A : i32
      %select_n3A_20 = arith.select %and3A, %add3A_19, %rem3A : i32
      %eq3A_21 = arith.constant 0 : i32
      %eq3A_22 = arith.cmpi eq, %select_n3A_20, %eq3A_21 : i32
      %convert_element_type3A_23 = arith.extui %eq3A_22 : i1 to i32
      %cond3A_24 = arith.constant 0 : i32
      %cond3A_25 = arith.cmpi ne, %convert_element_type3A_23, %cond3A_24 : i32
      scf.if %cond3A_25 {
        %add3A_47 = arith.constant 1 : i32
        %add3A_48 = arith.addi %scan3A_10, %add3A_47 : i32
        %mul3A_49 = arith.constant 32 : i32
        %mul3A_50 = arith.muli %add3A_48, %mul3A_49 : i32
        %add3A_51 = arith.addi %mul3A_50, %add3A : i32
        %lt3A_52 = arith.constant 625 : i32
        %lt3A_53 = arith.cmpi slt, %add3A_51, %lt3A_52 : i32
        %convert_element_type3A_54 = arith.extui %lt3A_53 : i1 to i32
        %cond3A_55 = arith.constant 0 : i32
        %cond3A_56 = arith.cmpi ne, %convert_element_type3A_54, %cond3A_55 : i32
        scf.if %cond3A_56 {
          %add3A_65 = arith.constant 625 : i32
          %add3A_66 = arith.addi %add3A_65, %add3A_51 : i32
          %mul3A_67 = arith.constant 128 : i32
          %mul3A_68 = arith.muli %add3A_66, %mul3A_67 : i32
          %run_scoped3A = arith.constant 0 : i32
          "tpu.region"() ({
            %run_scoped3A_71 = tpu.sem_alloc : memref<!tpu.dma_semaphore, #tpu.memory_space<semaphore_mem>>
            %dma_start3A_72 = tpu.memref_slice %arg2[%run_scoped3A, %mul3A_68] : memref<2x160000xi32, #tpu.memory_space<hbm>> -> memref<1x128xi32, #tpu.memory_space<hbm>>
            %dma_start3A_73 = tpu.memref_squeeze %dma_start3A_72 : memref<1x128xi32, #tpu.memory_space<hbm>> -> memref<128xi32, #tpu.memory_space<hbm>>
            %dma_start3A_74 = tpu.memref_slice %arg2[%run_scoped3A, %mul3A_68] : memref<2x160000xi32, #tpu.memory_space<hbm>> -> memref<1x128xi32, #tpu.memory_space<hbm>>
            %dma_start3A_75 = tpu.memref_squeeze %dma_start3A_74 : memref<1x128xi32, #tpu.memory_space<hbm>> -> memref<128xi32, #tpu.memory_space<hbm>>
            tpu.enqueue_dma source(%dma_start3A_75 : memref<128xi32, #tpu.memory_space<hbm>>) target(%arg6 : memref<128xi32, #tpu.memory_space<vmem>>) target_semaphore(%run_scoped3A_71 : memref<!tpu.dma_semaphore, #tpu.memory_space<semaphore_mem>>)
            %dma_wait3A = tpu.memref_slice %arg2[%run_scoped3A, %mul3A_68] : memref<2x160000xi32, #tpu.memory_space<hbm>> -> memref<1x128xi32, #tpu.memory_space<hbm>>
            %dma_wait3A_76 = tpu.memref_squeeze %dma_wait3A : memref<1x128xi32, #tpu.memory_space<hbm>> -> memref<128xi32, #tpu.memory_space<hbm>>
            %dma_wait3A_77 = tpu.memref_slice %arg2[%run_scoped3A, %mul3A_68] : memref<2x160000xi32, #tpu.memory_space<hbm>> -> memref<1x128xi32, #tpu.memory_space<hbm>>
            %dma_wait3A_78 = tpu.memref_squeeze %dma_wait3A_77 : memref<1x128xi32, #tpu.memory_space<hbm>> -> memref<128xi32, #tpu.memory_space<hbm>>
            tpu.wait_dma2 semaphore(%run_scoped3A_71 : memref<!tpu.dma_semaphore, #tpu.memory_space<semaphore_mem>>) src(%dma_wait3A_78 : memref<128xi32, #tpu.memory_space<hbm>>) dst(%arg6 : memref<128xi32, #tpu.memory_space<vmem>>)
            tpu.yield
          }) : () -> ()
          %dma_start3A = arith.constant 0 : i32
          %dma_start3A_69 = arith.constant 0 : i32
          %dma_start3A_70 = tpu.memref_slice %arg3[%dma_start3A, %dma_start3A_69] : memref<10000x128xf32, #tpu.memory_space<hbm>> -> memref<10000x128xf32, #tpu.memory_space<hbm>>
          tpu.enqueue_indirect_dma source(%dma_start3A_70 : memref<10000x128xf32, #tpu.memory_space<hbm>>) target(%arg8 : memref<128x128xf32, #tpu.memory_space<vmem>>) offsets(%arg6 : memref<128xi32, #tpu.memory_space<vmem>>) semaphore(%arg10 : memref<!tpu.dma_semaphore, #tpu.memory_space<semaphore_mem>>)
        } else {
        }
        %mul3A_57 = arith.constant 32 : i32
        %mul3A_58 = arith.muli %scan3A_10, %mul3A_57 : i32
        %add3A_59 = arith.addi %mul3A_58, %add3A : i32
        %lt3A_60 = arith.constant 625 : i32
        %lt3A_61 = arith.cmpi slt, %add3A_59, %lt3A_60 : i32
        %convert_element_type3A_62 = arith.extui %lt3A_61 : i1 to i32
        %cond3A_63 = arith.constant 0 : i32
        %cond3A_64 = arith.cmpi ne, %convert_element_type3A_62, %cond3A_63 : i32
        scf.if %cond3A_64 {
          %dma_wait3A = arith.constant 0 : i32
          %dma_wait3A_65 = arith.constant 0 : i32
          %dma_wait3A_66 = tpu.memref_slice %arg3[%dma_wait3A, %dma_wait3A_65] : memref<10000x128xf32, #tpu.memory_space<hbm>> -> memref<10000x128xf32, #tpu.memory_space<hbm>>
          tpu.wait_indirect_dma semaphore(%arg9 : memref<!tpu.dma_semaphore, #tpu.memory_space<semaphore_mem>>) src(%dma_wait3A_66 : memref<10000x128xf32, #tpu.memory_space<hbm>>) dst(%arg7 : memref<128x128xf32, #tpu.memory_space<vmem>>)
          %mul3A_67 = arith.constant 128 : i32
          %mul3A_68 = arith.muli %add3A_59, %mul3A_67 : i32
          "tpu.region"() ({
            %run_scoped3A = tpu.sem_alloc : memref<!tpu.dma_semaphore, #tpu.memory_space<semaphore_mem>>
            %dma_start3A = arith.constant 0 : i32
            %dma_start3A_69 = tpu.memref_slice %arg4[%mul3A_68, %dma_start3A] : memref<80000x128xf32, #tpu.memory_space<hbm>> -> memref<128x128xf32, #tpu.memory_space<hbm>>
            %dma_start3A_70 = arith.constant 0 : i32
            %dma_start3A_71 = tpu.memref_slice %arg4[%mul3A_68, %dma_start3A_70] : memref<80000x128xf32, #tpu.memory_space<hbm>> -> memref<128x128xf32, #tpu.memory_space<hbm>>
            tpu.enqueue_dma source(%arg7 : memref<128x128xf32, #tpu.memory_space<vmem>>) target(%dma_start3A_71 : memref<128x128xf32, #tpu.memory_space<hbm>>) target_semaphore(%run_scoped3A : memref<!tpu.dma_semaphore, #tpu.memory_space<semaphore_mem>>)
            %dma_wait3A_72 = arith.constant 0 : i32
            %dma_wait3A_73 = tpu.memref_slice %arg4[%mul3A_68, %dma_wait3A_72] : memref<80000x128xf32, #tpu.memory_space<hbm>> -> memref<128x128xf32, #tpu.memory_space<hbm>>
            %dma_wait3A_74 = arith.constant 0 : i32
            %dma_wait3A_75 = tpu.memref_slice %arg4[%mul3A_68, %dma_wait3A_74] : memref<80000x128xf32, #tpu.memory_space<hbm>> -> memref<128x128xf32, #tpu.memory_space<hbm>>
            tpu.wait_dma2 semaphore(%run_scoped3A : memref<!tpu.dma_semaphore, #tpu.memory_space<semaphore_mem>>) src(%arg7 : memref<128x128xf32, #tpu.memory_space<vmem>>) dst(%dma_wait3A_75 : memref<128x128xf32, #tpu.memory_space<hbm>>)
            tpu.yield
          }) : () -> ()
        } else {
        }
      } else {
      }
      %jit3A_26 = arith.constant 2 : i32
      %eq3A_27 = arith.constant 0 : i32
      %eq3A_28 = arith.cmpi eq, %jit3A_26, %eq3A_27 : i32
      %jit3A_29 = arith.constant 1 : i32
      %select_n3A_30 = arith.select %eq3A_28, %jit3A_29, %jit3A_26 : i32
      %rem3A_31 = arith.remsi %scan3A_10, %select_n3A_30 : i32
      %ne3A_32 = arith.constant 0 : i32
      %ne3A_33 = arith.cmpi ne, %rem3A_31, %ne3A_32 : i32
      %lt3A_34 = arith.constant 0 : i32
      %lt3A_35 = arith.cmpi slt, %rem3A_31, %lt3A_34 : i32
      %lt3A_36 = arith.constant 0 : i32
      %lt3A_37 = arith.cmpi slt, %select_n3A_30, %lt3A_36 : i32
      %ne3A_38 = arith.xori %lt3A_35, %lt3A_37 : i1
      %and3A_39 = arith.andi %ne3A_38, %ne3A_33 : i1
      %add3A_40 = arith.addi %rem3A_31, %select_n3A_30 : i32
      %select_n3A_41 = arith.select %and3A_39, %add3A_40, %rem3A_31 : i32
      %eq3A_42 = arith.constant 1 : i32
      %eq3A_43 = arith.cmpi eq, %select_n3A_41, %eq3A_42 : i32
      %convert_element_type3A_44 = arith.extui %eq3A_43 : i1 to i32
      %cond3A_45 = arith.constant 0 : i32
      %cond3A_46 = arith.cmpi ne, %convert_element_type3A_44, %cond3A_45 : i32
      scf.if %cond3A_46 {
        %add3A_47 = arith.constant 1 : i32
        %add3A_48 = arith.addi %scan3A_10, %add3A_47 : i32
        %mul3A_49 = arith.constant 32 : i32
        %mul3A_50 = arith.muli %add3A_48, %mul3A_49 : i32
        %add3A_51 = arith.addi %mul3A_50, %add3A : i32
        %lt3A_52 = arith.constant 625 : i32
        %lt3A_53 = arith.cmpi slt, %add3A_51, %lt3A_52 : i32
        %convert_element_type3A_54 = arith.extui %lt3A_53 : i1 to i32
        %cond3A_55 = arith.constant 0 : i32
        %cond3A_56 = arith.cmpi ne, %convert_element_type3A_54, %cond3A_55 : i32
        scf.if %cond3A_56 {
          %add3A_65 = arith.constant 625 : i32
          %add3A_66 = arith.addi %add3A_65, %add3A_51 : i32
          %mul3A_67 = arith.constant 128 : i32
          %mul3A_68 = arith.muli %add3A_66, %mul3A_67 : i32
          %run_scoped3A = arith.constant 0 : i32
          "tpu.region"() ({
            %run_scoped3A_71 = tpu.sem_alloc : memref<!tpu.dma_semaphore, #tpu.memory_space<semaphore_mem>>
            %dma_start3A_72 = tpu.memref_slice %arg2[%run_scoped3A, %mul3A_68] : memref<2x160000xi32, #tpu.memory_space<hbm>> -> memref<1x128xi32, #tpu.memory_space<hbm>>
            %dma_start3A_73 = tpu.memref_squeeze %dma_start3A_72 : memref<1x128xi32, #tpu.memory_space<hbm>> -> memref<128xi32, #tpu.memory_space<hbm>>
            %dma_start3A_74 = tpu.memref_slice %arg2[%run_scoped3A, %mul3A_68] : memref<2x160000xi32, #tpu.memory_space<hbm>> -> memref<1x128xi32, #tpu.memory_space<hbm>>
            %dma_start3A_75 = tpu.memref_squeeze %dma_start3A_74 : memref<1x128xi32, #tpu.memory_space<hbm>> -> memref<128xi32, #tpu.memory_space<hbm>>
            tpu.enqueue_dma source(%dma_start3A_75 : memref<128xi32, #tpu.memory_space<hbm>>) target(%arg5 : memref<128xi32, #tpu.memory_space<vmem>>) target_semaphore(%run_scoped3A_71 : memref<!tpu.dma_semaphore, #tpu.memory_space<semaphore_mem>>)
            %dma_wait3A = tpu.memref_slice %arg2[%run_scoped3A, %mul3A_68] : memref<2x160000xi32, #tpu.memory_space<hbm>> -> memref<1x128xi32, #tpu.memory_space<hbm>>
            %dma_wait3A_76 = tpu.memref_squeeze %dma_wait3A : memref<1x128xi32, #tpu.memory_space<hbm>> -> memref<128xi32, #tpu.memory_space<hbm>>
            %dma_wait3A_77 = tpu.memref_slice %arg2[%run_scoped3A, %mul3A_68] : memref<2x160000xi32, #tpu.memory_space<hbm>> -> memref<1x128xi32, #tpu.memory_space<hbm>>
            %dma_wait3A_78 = tpu.memref_squeeze %dma_wait3A_77 : memref<1x128xi32, #tpu.memory_space<hbm>> -> memref<128xi32, #tpu.memory_space<hbm>>
            tpu.wait_dma2 semaphore(%run_scoped3A_71 : memref<!tpu.dma_semaphore, #tpu.memory_space<semaphore_mem>>) src(%dma_wait3A_78 : memref<128xi32, #tpu.memory_space<hbm>>) dst(%arg5 : memref<128xi32, #tpu.memory_space<vmem>>)
            tpu.yield
          }) : () -> ()
          %dma_start3A = arith.constant 0 : i32
          %dma_start3A_69 = arith.constant 0 : i32
          %dma_start3A_70 = tpu.memref_slice %arg3[%dma_start3A, %dma_start3A_69] : memref<10000x128xf32, #tpu.memory_space<hbm>> -> memref<10000x128xf32, #tpu.memory_space<hbm>>
          tpu.enqueue_indirect_dma source(%dma_start3A_70 : memref<10000x128xf32, #tpu.memory_space<hbm>>) target(%arg7 : memref<128x128xf32, #tpu.memory_space<vmem>>) offsets(%arg5 : memref<128xi32, #tpu.memory_space<vmem>>) semaphore(%arg9 : memref<!tpu.dma_semaphore, #tpu.memory_space<semaphore_mem>>)
        } else {
        }
        %mul3A_57 = arith.constant 32 : i32
        %mul3A_58 = arith.muli %scan3A_10, %mul3A_57 : i32
        %add3A_59 = arith.addi %mul3A_58, %add3A : i32
        %lt3A_60 = arith.constant 625 : i32
        %lt3A_61 = arith.cmpi slt, %add3A_59, %lt3A_60 : i32
        %convert_element_type3A_62 = arith.extui %lt3A_61 : i1 to i32
        %cond3A_63 = arith.constant 0 : i32
        %cond3A_64 = arith.cmpi ne, %convert_element_type3A_62, %cond3A_63 : i32
        scf.if %cond3A_64 {
          %dma_wait3A = arith.constant 0 : i32
          %dma_wait3A_65 = arith.constant 0 : i32
          %dma_wait3A_66 = tpu.memref_slice %arg3[%dma_wait3A, %dma_wait3A_65] : memref<10000x128xf32, #tpu.memory_space<hbm>> -> memref<10000x128xf32, #tpu.memory_space<hbm>>
          tpu.wait_indirect_dma semaphore(%arg10 : memref<!tpu.dma_semaphore, #tpu.memory_space<semaphore_mem>>) src(%dma_wait3A_66 : memref<10000x128xf32, #tpu.memory_space<hbm>>) dst(%arg8 : memref<128x128xf32, #tpu.memory_space<vmem>>)
          %mul3A_67 = arith.constant 128 : i32
          %mul3A_68 = arith.muli %add3A_59, %mul3A_67 : i32
          "tpu.region"() ({
            %run_scoped3A = tpu.sem_alloc : memref<!tpu.dma_semaphore, #tpu.memory_space<semaphore_mem>>
            %dma_start3A = arith.constant 0 : i32
            %dma_start3A_69 = tpu.memref_slice %arg4[%mul3A_68, %dma_start3A] : memref<80000x128xf32, #tpu.memory_space<hbm>> -> memref<128x128xf32, #tpu.memory_space<hbm>>
            %dma_start3A_70 = arith.constant 0 : i32
            %dma_start3A_71 = tpu.memref_slice %arg4[%mul3A_68, %dma_start3A_70] : memref<80000x128xf32, #tpu.memory_space<hbm>> -> memref<128x128xf32, #tpu.memory_space<hbm>>
            tpu.enqueue_dma source(%arg8 : memref<128x128xf32, #tpu.memory_space<vmem>>) target(%dma_start3A_71 : memref<128x128xf32, #tpu.memory_space<hbm>>) target_semaphore(%run_scoped3A : memref<!tpu.dma_semaphore, #tpu.memory_space<semaphore_mem>>)
            %dma_wait3A_72 = arith.constant 0 : i32
            %dma_wait3A_73 = tpu.memref_slice %arg4[%mul3A_68, %dma_wait3A_72] : memref<80000x128xf32, #tpu.memory_space<hbm>> -> memref<128x128xf32, #tpu.memory_space<hbm>>
            %dma_wait3A_74 = arith.constant 0 : i32
            %dma_wait3A_75 = tpu.memref_slice %arg4[%mul3A_68, %dma_wait3A_74] : memref<80000x128xf32, #tpu.memory_space<hbm>> -> memref<128x128xf32, #tpu.memory_space<hbm>>
            tpu.wait_dma2 semaphore(%run_scoped3A : memref<!tpu.dma_semaphore, #tpu.memory_space<semaphore_mem>>) src(%arg8 : memref<128x128xf32, #tpu.memory_space<vmem>>) dst(%dma_wait3A_75 : memref<128x128xf32, #tpu.memory_space<hbm>>)
            tpu.yield
          }) : () -> ()
        } else {
        }
      } else {
      }
    }
    %scan3A_9 = arith.constant 20 : i32
    return
  }
}

#map = affine_map<(d0, d1) -> (0, 0)>
module attributes {stable_mosaic.version = 14 : i64} {
  func.func @_gather_body(%arg0: i32, %arg1: i32, %arg2: memref<2x160000xi32, #tpu.memory_space<hbm>>, %arg3: memref<10000x128xf32, #tpu.memory_space<hbm>>, %arg4: memref<80000x128xf32, #tpu.memory_space<hbm>>, %arg5: memref<128xi32, #tpu.memory_space<vmem>>, %arg6: memref<128xi32, #tpu.memory_space<vmem>>, %arg7: memref<128x128xf32, #tpu.memory_space<vmem>>, %arg8: memref<128x128xf32, #tpu.memory_space<vmem>>, %arg9: memref<!tpu.dma_semaphore, #tpu.memory_space<semaphore_mem>>, %arg10: memref<!tpu.dma_semaphore, #tpu.memory_space<semaphore_mem>>) attributes {dimension_semantics = [#tpu.dimension_semantics<core_parallel>, #tpu.dimension_semantics<subcore_parallel>], iteration_bounds = array<i64: 2, 16>, scalar_prefetch = 0 : i64, scratch_operands = 6 : i64, tpu.core_type = #tpu.core_type<sc_vector_subcore>, window_params = [{transform_indices = #map}, {transform_indices = #map}, {transform_indices = #map}]} {
    %mul3A = arith.constant 2 : i32
    %mul3A_0 = arith.muli %arg1, %mul3A : i32
    %add3A = arith.addi %mul3A_0, %arg0 : i32
    %add3A_1 = arith.constant 0 : i32
    %add3A_2 = arith.addi %add3A_1, %add3A : i32
    %lt3A = arith.constant 625 : i32
    %lt3A_3 = arith.cmpi slt, %add3A_2, %lt3A : i32
    %convert_element_type3A = arith.extui %lt3A_3 : i1 to i32
    %cond3A = arith.constant 0 : i32
    %cond3A_4 = arith.cmpi ne, %convert_element_type3A, %cond3A : i32
    scf.if %cond3A_4 {
      %add3A_10 = arith.constant 0 : i32
      %add3A_11 = arith.addi %add3A_10, %add3A_2 : i32
      %mul3A_12 = arith.constant 128 : i32
      %mul3A_13 = arith.muli %add3A_11, %mul3A_12 : i32
      %run_scoped3A = arith.constant 0 : i32
      "tpu.region"() ({
        %run_scoped3A_16 = tpu.sem_alloc : memref<!tpu.dma_semaphore, #tpu.memory_space<semaphore_mem>>
        %dma_start3A_17 = tpu.memref_slice %arg2[%run_scoped3A, %mul3A_13] : memref<2x160000xi32, #tpu.memory_space<hbm>> -> memref<1x128xi32, #tpu.memory_space<hbm>>
        %dma_start3A_18 = tpu.memref_squeeze %dma_start3A_17 : memref<1x128xi32, #tpu.memory_space<hbm>> -> memref<128xi32, #tpu.memory_space<hbm>>
        %dma_start3A_19 = tpu.memref_slice %arg2[%run_scoped3A, %mul3A_13] : memref<2x160000xi32, #tpu.memory_space<hbm>> -> memref<1x128xi32, #tpu.memory_space<hbm>>
        %dma_start3A_20 = tpu.memref_squeeze %dma_start3A_19 : memref<1x128xi32, #tpu.memory_space<hbm>> -> memref<128xi32, #tpu.memory_space<hbm>>
        tpu.enqueue_dma source(%dma_start3A_20 : memref<128xi32, #tpu.memory_space<hbm>>) target(%arg5 : memref<128xi32, #tpu.memory_space<vmem>>) target_semaphore(%run_scoped3A_16 : memref<!tpu.dma_semaphore, #tpu.memory_space<semaphore_mem>>)
        %dma_wait3A = tpu.memref_slice %arg2[%run_scoped3A, %mul3A_13] : memref<2x160000xi32, #tpu.memory_space<hbm>> -> memref<1x128xi32, #tpu.memory_space<hbm>>
        %dma_wait3A_21 = tpu.memref_squeeze %dma_wait3A : memref<1x128xi32, #tpu.memory_space<hbm>> -> memref<128xi32, #tpu.memory_space<hbm>>
        %dma_wait3A_22 = tpu.memref_slice %arg2[%run_scoped3A, %mul3A_13] : memref<2x160000xi32, #tpu.memory_space<hbm>> -> memref<1x128xi32, #tpu.memory_space<hbm>>
        %dma_wait3A_23 = tpu.memref_squeeze %dma_wait3A_22 : memref<1x128xi32, #tpu.memory_space<hbm>> -> memref<128xi32, #tpu.memory_space<hbm>>
        tpu.wait_dma2 semaphore(%run_scoped3A_16 : memref<!tpu.dma_semaphore, #tpu.memory_space<semaphore_mem>>) src(%dma_wait3A_23 : memref<128xi32, #tpu.memory_space<hbm>>) dst(%arg5 : memref<128xi32, #tpu.memory_space<vmem>>)
        tpu.yield
      }) : () -> ()
      %dma_start3A = arith.constant 0 : i32
      %dma_start3A_14 = arith.constant 0 : i32
      %dma_start3A_15 = tpu.memref_slice %arg3[%dma_start3A, %dma_start3A_14] : memref<10000x128xf32, #tpu.memory_space<hbm>> -> memref<10000x128xf32, #tpu.memory_space<hbm>>
      tpu.enqueue_indirect_dma source(%dma_start3A_15 : memref<10000x128xf32, #tpu.memory_space<hbm>>) target(%arg7 : memref<128x128xf32, #tpu.memory_space<vmem>>) offsets(%arg5 : memref<128xi32, #tpu.memory_space<vmem>>) semaphore(%arg9 : memref<!tpu.dma_semaphore, #tpu.memory_space<semaphore_mem>>)
    } else {
    }
    %scan3A = arith.constant 0 : i32
    %scan3A_5 = arith.constant 0 : i32
    %scan3A_6 = arith.constant 20 : i32
    %scan3A_7 = arith.addi %scan3A_5, %scan3A_6 : i32
    %scan3A_8 = arith.constant 1 : i32
    scf.for %scan3A_10 = %scan3A_5 to %scan3A_7 step %scan3A_8  : i32 {
      %jit3A = arith.constant 2 : i32
      %eq3A = arith.constant 0 : i32
      %eq3A_11 = arith.cmpi eq, %jit3A, %eq3A : i32
      %jit3A_12 = arith.constant 1 : i32
      %select_n3A = arith.select %eq3A_11, %jit3A_12, %jit3A : i32
      %rem3A = arith.remsi %scan3A_10, %select_n3A : i32
      %ne3A = arith.constant 0 : i32
      %ne3A_13 = arith.cmpi ne, %rem3A, %ne3A : i32
      %lt3A_14 = arith.constant 0 : i32
      %lt3A_15 = arith.cmpi slt, %rem3A, %lt3A_14 : i32
      %lt3A_16 = arith.constant 0 : i32
      %lt3A_17 = arith.cmpi slt, %select_n3A, %lt3A_16 : i32
      %ne3A_18 = arith.xori %lt3A_15, %lt3A_17 : i1
      %and3A = arith.andi %ne3A_18, %ne3A_13 : i1
      %add3A_19 = arith.addi %rem3A, %select_n3A : i32
      %select_n3A_20 = arith.select %and3A, %add3A_19, %rem3A : i32
      %eq3A_21 = arith.constant 0 : i32
      %eq3A_22 = arith.cmpi eq, %select_n3A_20, %eq3A_21 : i32
      %convert_element_type3A_23 = arith.extui %eq3A_22 : i1 to i32
      %cond3A_24 = arith.constant 0 : i32
      %cond3A_25 = arith.cmpi ne, %convert_element_type3A_23, %cond3A_24 : i32
      scf.if %cond3A_25 {
        %add3A_47 = arith.constant 1 : i32
        %add3A_48 = arith.addi %scan3A_10, %add3A_47 : i32
        %mul3A_49 = arith.constant 32 : i32
        %mul3A_50 = arith.muli %add3A_48, %mul3A_49 : i32
        %add3A_51 = arith.addi %mul3A_50, %add3A : i32
        %lt3A_52 = arith.constant 625 : i32
        %lt3A_53 = arith.cmpi slt, %add3A_51, %lt3A_52 : i32
        %convert_element_type3A_54 = arith.extui %lt3A_53 : i1 to i32
        %cond3A_55 = arith.constant 0 : i32
        %cond3A_56 = arith.cmpi ne, %convert_element_type3A_54, %cond3A_55 : i32
        scf.if %cond3A_56 {
          %add3A_65 = arith.constant 0 : i32
          %add3A_66 = arith.addi %add3A_65, %add3A_51 : i32
          %mul3A_67 = arith.constant 128 : i32
          %mul3A_68 = arith.muli %add3A_66, %mul3A_67 : i32
          %run_scoped3A = arith.constant 0 : i32
          "tpu.region"() ({
            %run_scoped3A_71 = tpu.sem_alloc : memref<!tpu.dma_semaphore, #tpu.memory_space<semaphore_mem>>
            %dma_start3A_72 = tpu.memref_slice %arg2[%run_scoped3A, %mul3A_68] : memref<2x160000xi32, #tpu.memory_space<hbm>> -> memref<1x128xi32, #tpu.memory_space<hbm>>
            %dma_start3A_73 = tpu.memref_squeeze %dma_start3A_72 : memref<1x128xi32, #tpu.memory_space<hbm>> -> memref<128xi32, #tpu.memory_space<hbm>>
            %dma_start3A_74 = tpu.memref_slice %arg2[%run_scoped3A, %mul3A_68] : memref<2x160000xi32, #tpu.memory_space<hbm>> -> memref<1x128xi32, #tpu.memory_space<hbm>>
            %dma_start3A_75 = tpu.memref_squeeze %dma_start3A_74 : memref<1x128xi32, #tpu.memory_space<hbm>> -> memref<128xi32, #tpu.memory_space<hbm>>
            tpu.enqueue_dma source(%dma_start3A_75 : memref<128xi32, #tpu.memory_space<hbm>>) target(%arg6 : memref<128xi32, #tpu.memory_space<vmem>>) target_semaphore(%run_scoped3A_71 : memref<!tpu.dma_semaphore, #tpu.memory_space<semaphore_mem>>)
            %dma_wait3A = tpu.memref_slice %arg2[%run_scoped3A, %mul3A_68] : memref<2x160000xi32, #tpu.memory_space<hbm>> -> memref<1x128xi32, #tpu.memory_space<hbm>>
            %dma_wait3A_76 = tpu.memref_squeeze %dma_wait3A : memref<1x128xi32, #tpu.memory_space<hbm>> -> memref<128xi32, #tpu.memory_space<hbm>>
            %dma_wait3A_77 = tpu.memref_slice %arg2[%run_scoped3A, %mul3A_68] : memref<2x160000xi32, #tpu.memory_space<hbm>> -> memref<1x128xi32, #tpu.memory_space<hbm>>
            %dma_wait3A_78 = tpu.memref_squeeze %dma_wait3A_77 : memref<1x128xi32, #tpu.memory_space<hbm>> -> memref<128xi32, #tpu.memory_space<hbm>>
            tpu.wait_dma2 semaphore(%run_scoped3A_71 : memref<!tpu.dma_semaphore, #tpu.memory_space<semaphore_mem>>) src(%dma_wait3A_78 : memref<128xi32, #tpu.memory_space<hbm>>) dst(%arg6 : memref<128xi32, #tpu.memory_space<vmem>>)
            tpu.yield
          }) : () -> ()
          %dma_start3A = arith.constant 0 : i32
          %dma_start3A_69 = arith.constant 0 : i32
          %dma_start3A_70 = tpu.memref_slice %arg3[%dma_start3A, %dma_start3A_69] : memref<10000x128xf32, #tpu.memory_space<hbm>> -> memref<10000x128xf32, #tpu.memory_space<hbm>>
          tpu.enqueue_indirect_dma source(%dma_start3A_70 : memref<10000x128xf32, #tpu.memory_space<hbm>>) target(%arg8 : memref<128x128xf32, #tpu.memory_space<vmem>>) offsets(%arg6 : memref<128xi32, #tpu.memory_space<vmem>>) semaphore(%arg10 : memref<!tpu.dma_semaphore, #tpu.memory_space<semaphore_mem>>)
        } else {
        }
        %mul3A_57 = arith.constant 32 : i32
        %mul3A_58 = arith.muli %scan3A_10, %mul3A_57 : i32
        %add3A_59 = arith.addi %mul3A_58, %add3A : i32
        %lt3A_60 = arith.constant 625 : i32
        %lt3A_61 = arith.cmpi slt, %add3A_59, %lt3A_60 : i32
        %convert_element_type3A_62 = arith.extui %lt3A_61 : i1 to i32
        %cond3A_63 = arith.constant 0 : i32
        %cond3A_64 = arith.cmpi ne, %convert_element_type3A_62, %cond3A_63 : i32
        scf.if %cond3A_64 {
          %dma_wait3A = arith.constant 0 : i32
          %dma_wait3A_65 = arith.constant 0 : i32
          %dma_wait3A_66 = tpu.memref_slice %arg3[%dma_wait3A, %dma_wait3A_65] : memref<10000x128xf32, #tpu.memory_space<hbm>> -> memref<10000x128xf32, #tpu.memory_space<hbm>>
          tpu.wait_indirect_dma semaphore(%arg9 : memref<!tpu.dma_semaphore, #tpu.memory_space<semaphore_mem>>) src(%dma_wait3A_66 : memref<10000x128xf32, #tpu.memory_space<hbm>>) dst(%arg7 : memref<128x128xf32, #tpu.memory_space<vmem>>)
          %mul3A_67 = arith.constant 128 : i32
          %mul3A_68 = arith.muli %add3A_59, %mul3A_67 : i32
          "tpu.region"() ({
            %run_scoped3A = tpu.sem_alloc : memref<!tpu.dma_semaphore, #tpu.memory_space<semaphore_mem>>
            %dma_start3A = arith.constant 0 : i32
            %dma_start3A_69 = tpu.memref_slice %arg4[%mul3A_68, %dma_start3A] : memref<80000x128xf32, #tpu.memory_space<hbm>> -> memref<128x128xf32, #tpu.memory_space<hbm>>
            %dma_start3A_70 = arith.constant 0 : i32
            %dma_start3A_71 = tpu.memref_slice %arg4[%mul3A_68, %dma_start3A_70] : memref<80000x128xf32, #tpu.memory_space<hbm>> -> memref<128x128xf32, #tpu.memory_space<hbm>>
            tpu.enqueue_dma source(%arg7 : memref<128x128xf32, #tpu.memory_space<vmem>>) target(%dma_start3A_71 : memref<128x128xf32, #tpu.memory_space<hbm>>) target_semaphore(%run_scoped3A : memref<!tpu.dma_semaphore, #tpu.memory_space<semaphore_mem>>)
            %dma_wait3A_72 = arith.constant 0 : i32
            %dma_wait3A_73 = tpu.memref_slice %arg4[%mul3A_68, %dma_wait3A_72] : memref<80000x128xf32, #tpu.memory_space<hbm>> -> memref<128x128xf32, #tpu.memory_space<hbm>>
            %dma_wait3A_74 = arith.constant 0 : i32
            %dma_wait3A_75 = tpu.memref_slice %arg4[%mul3A_68, %dma_wait3A_74] : memref<80000x128xf32, #tpu.memory_space<hbm>> -> memref<128x128xf32, #tpu.memory_space<hbm>>
            tpu.wait_dma2 semaphore(%run_scoped3A : memref<!tpu.dma_semaphore, #tpu.memory_space<semaphore_mem>>) src(%arg7 : memref<128x128xf32, #tpu.memory_space<vmem>>) dst(%dma_wait3A_75 : memref<128x128xf32, #tpu.memory_space<hbm>>)
            tpu.yield
          }) : () -> ()
        } else {
        }
      } else {
      }
      %jit3A_26 = arith.constant 2 : i32
      %eq3A_27 = arith.constant 0 : i32
      %eq3A_28 = arith.cmpi eq, %jit3A_26, %eq3A_27 : i32
      %jit3A_29 = arith.constant 1 : i32
      %select_n3A_30 = arith.select %eq3A_28, %jit3A_29, %jit3A_26 : i32
      %rem3A_31 = arith.remsi %scan3A_10, %select_n3A_30 : i32
      %ne3A_32 = arith.constant 0 : i32
      %ne3A_33 = arith.cmpi ne, %rem3A_31, %ne3A_32 : i32
      %lt3A_34 = arith.constant 0 : i32
      %lt3A_35 = arith.cmpi slt, %rem3A_31, %lt3A_34 : i32
      %lt3A_36 = arith.constant 0 : i32
      %lt3A_37 = arith.cmpi slt, %select_n3A_30, %lt3A_36 : i32
      %ne3A_38 = arith.xori %lt3A_35, %lt3A_37 : i1
      %and3A_39 = arith.andi %ne3A_38, %ne3A_33 : i1
      %add3A_40 = arith.addi %rem3A_31, %select_n3A_30 : i32
      %select_n3A_41 = arith.select %and3A_39, %add3A_40, %rem3A_31 : i32
      %eq3A_42 = arith.constant 1 : i32
      %eq3A_43 = arith.cmpi eq, %select_n3A_41, %eq3A_42 : i32
      %convert_element_type3A_44 = arith.extui %eq3A_43 : i1 to i32
      %cond3A_45 = arith.constant 0 : i32
      %cond3A_46 = arith.cmpi ne, %convert_element_type3A_44, %cond3A_45 : i32
      scf.if %cond3A_46 {
        %add3A_47 = arith.constant 1 : i32
        %add3A_48 = arith.addi %scan3A_10, %add3A_47 : i32
        %mul3A_49 = arith.constant 32 : i32
        %mul3A_50 = arith.muli %add3A_48, %mul3A_49 : i32
        %add3A_51 = arith.addi %mul3A_50, %add3A : i32
        %lt3A_52 = arith.constant 625 : i32
        %lt3A_53 = arith.cmpi slt, %add3A_51, %lt3A_52 : i32
        %convert_element_type3A_54 = arith.extui %lt3A_53 : i1 to i32
        %cond3A_55 = arith.constant 0 : i32
        %cond3A_56 = arith.cmpi ne, %convert_element_type3A_54, %cond3A_55 : i32
        scf.if %cond3A_56 {
          %add3A_65 = arith.constant 0 : i32
          %add3A_66 = arith.addi %add3A_65, %add3A_51 : i32
          %mul3A_67 = arith.constant 128 : i32
          %mul3A_68 = arith.muli %add3A_66, %mul3A_67 : i32
          %run_scoped3A = arith.constant 0 : i32
          "tpu.region"() ({
            %run_scoped3A_71 = tpu.sem_alloc : memref<!tpu.dma_semaphore, #tpu.memory_space<semaphore_mem>>
            %dma_start3A_72 = tpu.memref_slice %arg2[%run_scoped3A, %mul3A_68] : memref<2x160000xi32, #tpu.memory_space<hbm>> -> memref<1x128xi32, #tpu.memory_space<hbm>>
            %dma_start3A_73 = tpu.memref_squeeze %dma_start3A_72 : memref<1x128xi32, #tpu.memory_space<hbm>> -> memref<128xi32, #tpu.memory_space<hbm>>
            %dma_start3A_74 = tpu.memref_slice %arg2[%run_scoped3A, %mul3A_68] : memref<2x160000xi32, #tpu.memory_space<hbm>> -> memref<1x128xi32, #tpu.memory_space<hbm>>
            %dma_start3A_75 = tpu.memref_squeeze %dma_start3A_74 : memref<1x128xi32, #tpu.memory_space<hbm>> -> memref<128xi32, #tpu.memory_space<hbm>>
            tpu.enqueue_dma source(%dma_start3A_75 : memref<128xi32, #tpu.memory_space<hbm>>) target(%arg5 : memref<128xi32, #tpu.memory_space<vmem>>) target_semaphore(%run_scoped3A_71 : memref<!tpu.dma_semaphore, #tpu.memory_space<semaphore_mem>>)
            %dma_wait3A = tpu.memref_slice %arg2[%run_scoped3A, %mul3A_68] : memref<2x160000xi32, #tpu.memory_space<hbm>> -> memref<1x128xi32, #tpu.memory_space<hbm>>
            %dma_wait3A_76 = tpu.memref_squeeze %dma_wait3A : memref<1x128xi32, #tpu.memory_space<hbm>> -> memref<128xi32, #tpu.memory_space<hbm>>
            %dma_wait3A_77 = tpu.memref_slice %arg2[%run_scoped3A, %mul3A_68] : memref<2x160000xi32, #tpu.memory_space<hbm>> -> memref<1x128xi32, #tpu.memory_space<hbm>>
            %dma_wait3A_78 = tpu.memref_squeeze %dma_wait3A_77 : memref<1x128xi32, #tpu.memory_space<hbm>> -> memref<128xi32, #tpu.memory_space<hbm>>
            tpu.wait_dma2 semaphore(%run_scoped3A_71 : memref<!tpu.dma_semaphore, #tpu.memory_space<semaphore_mem>>) src(%dma_wait3A_78 : memref<128xi32, #tpu.memory_space<hbm>>) dst(%arg5 : memref<128xi32, #tpu.memory_space<vmem>>)
            tpu.yield
          }) : () -> ()
          %dma_start3A = arith.constant 0 : i32
          %dma_start3A_69 = arith.constant 0 : i32
          %dma_start3A_70 = tpu.memref_slice %arg3[%dma_start3A, %dma_start3A_69] : memref<10000x128xf32, #tpu.memory_space<hbm>> -> memref<10000x128xf32, #tpu.memory_space<hbm>>
          tpu.enqueue_indirect_dma source(%dma_start3A_70 : memref<10000x128xf32, #tpu.memory_space<hbm>>) target(%arg7 : memref<128x128xf32, #tpu.memory_space<vmem>>) offsets(%arg5 : memref<128xi32, #tpu.memory_space<vmem>>) semaphore(%arg9 : memref<!tpu.dma_semaphore, #tpu.memory_space<semaphore_mem>>)
        } else {
        }
        %mul3A_57 = arith.constant 32 : i32
        %mul3A_58 = arith.muli %scan3A_10, %mul3A_57 : i32
        %add3A_59 = arith.addi %mul3A_58, %add3A : i32
        %lt3A_60 = arith.constant 625 : i32
        %lt3A_61 = arith.cmpi slt, %add3A_59, %lt3A_60 : i32
        %convert_element_type3A_62 = arith.extui %lt3A_61 : i1 to i32
        %cond3A_63 = arith.constant 0 : i32
        %cond3A_64 = arith.cmpi ne, %convert_element_type3A_62, %cond3A_63 : i32
        scf.if %cond3A_64 {
          %dma_wait3A = arith.constant 0 : i32
          %dma_wait3A_65 = arith.constant 0 : i32
          %dma_wait3A_66 = tpu.memref_slice %arg3[%dma_wait3A, %dma_wait3A_65] : memref<10000x128xf32, #tpu.memory_space<hbm>> -> memref<10000x128xf32, #tpu.memory_space<hbm>>
          tpu.wait_indirect_dma semaphore(%arg10 : memref<!tpu.dma_semaphore, #tpu.memory_space<semaphore_mem>>) src(%dma_wait3A_66 : memref<10000x128xf32, #tpu.memory_space<hbm>>) dst(%arg8 : memref<128x128xf32, #tpu.memory_space<vmem>>)
          %mul3A_67 = arith.constant 128 : i32
          %mul3A_68 = arith.muli %add3A_59, %mul3A_67 : i32
          "tpu.region"() ({
            %run_scoped3A = tpu.sem_alloc : memref<!tpu.dma_semaphore, #tpu.memory_space<semaphore_mem>>
            %dma_start3A = arith.constant 0 : i32
            %dma_start3A_69 = tpu.memref_slice %arg4[%mul3A_68, %dma_start3A] : memref<80000x128xf32, #tpu.memory_space<hbm>> -> memref<128x128xf32, #tpu.memory_space<hbm>>
            %dma_start3A_70 = arith.constant 0 : i32
            %dma_start3A_71 = tpu.memref_slice %arg4[%mul3A_68, %dma_start3A_70] : memref<80000x128xf32, #tpu.memory_space<hbm>> -> memref<128x128xf32, #tpu.memory_space<hbm>>
            tpu.enqueue_dma source(%arg8 : memref<128x128xf32, #tpu.memory_space<vmem>>) target(%dma_start3A_71 : memref<128x128xf32, #tpu.memory_space<hbm>>) target_semaphore(%run_scoped3A : memref<!tpu.dma_semaphore, #tpu.memory_space<semaphore_mem>>)
            %dma_wait3A_72 = arith.constant 0 : i32
            %dma_wait3A_73 = tpu.memref_slice %arg4[%mul3A_68, %dma_wait3A_72] : memref<80000x128xf32, #tpu.memory_space<hbm>> -> memref<128x128xf32, #tpu.memory_space<hbm>>
            %dma_wait3A_74 = arith.constant 0 : i32
            %dma_wait3A_75 = tpu.memref_slice %arg4[%mul3A_68, %dma_wait3A_74] : memref<80000x128xf32, #tpu.memory_space<hbm>> -> memref<128x128xf32, #tpu.memory_space<hbm>>
            tpu.wait_dma2 semaphore(%run_scoped3A : memref<!tpu.dma_semaphore, #tpu.memory_space<semaphore_mem>>) src(%arg8 : memref<128x128xf32, #tpu.memory_space<vmem>>) dst(%dma_wait3A_75 : memref<128x128xf32, #tpu.memory_space<hbm>>)
            tpu.yield
          }) : () -> ()
        } else {
        }
      } else {
      }
    }
    %scan3A_9 = arith.constant 20 : i32
    return
  }
}

#map = affine_map<(d0, d1) -> (0, 0)>
#map1 = affine_map<(d0, d1) -> (0, 0, 0)>
module attributes {stable_mosaic.version = 14 : i64} {
  func.func @_scatter_body(%arg0: i32, %arg1: i32, %arg2: memref<2x160000xi32, #tpu.memory_space<hbm>>, %arg3: memref<80000x128xf32, #tpu.memory_space<hbm>>, %arg4: memref<2x10000x128xf32, #tpu.memory_space<hbm>>, %arg5: memref<2x10000x128xf32, #tpu.memory_space<hbm>>, %arg6: memref<128xi32, #tpu.memory_space<vmem>>, %arg7: memref<128xi32, #tpu.memory_space<vmem>>, %arg8: memref<128x128xf32, #tpu.memory_space<vmem>>, %arg9: memref<128x128xf32, #tpu.memory_space<vmem>>, %arg10: memref<10000x128xf32, #tpu.memory_space<vmem_shared>>, %arg11: memref<!tpu.dma_semaphore, #tpu.memory_space<semaphore_mem>>, %arg12: memref<!tpu.dma_semaphore, #tpu.memory_space<semaphore_mem>>) attributes {dimension_semantics = [#tpu.dimension_semantics<core_parallel>, #tpu.dimension_semantics<subcore_parallel>], iteration_bounds = array<i64: 2, 16>, scalar_prefetch = 0 : i64, scratch_operands = 7 : i64, tpu.core_type = #tpu.core_type<sc_vector_subcore>, window_params = [{transform_indices = #map}, {transform_indices = #map}, {transform_indices = #map1}, {transform_indices = #map1}]} {
    %mul3A = arith.constant 2 : i32
    %mul3A_0 = arith.muli %arg1, %mul3A : i32
    %add3A = arith.addi %mul3A_0, %arg0 : i32
    %eq3A = arith.constant 0 : i32
    %eq3A_1 = arith.cmpi eq, %arg1, %eq3A : i32
    %convert_element_type3A = arith.extui %eq3A_1 : i1 to i32
    %cond3A = arith.constant 0 : i32
    %cond3A_2 = arith.cmpi ne, %convert_element_type3A, %cond3A : i32
    scf.if %cond3A_2 {
      "tpu.region"() ({
        %run_scoped3A = tpu.sem_alloc : memref<!tpu.dma_semaphore, #tpu.memory_space<semaphore_mem>>
        %dma_start3A = arith.constant 0 : i32
        %dma_start3A_20 = arith.constant 0 : i32
        %dma_start3A_21 = tpu.memref_slice %arg4[%arg0, %dma_start3A, %dma_start3A_20] : memref<2x10000x128xf32, #tpu.memory_space<hbm>> -> memref<1x10000x128xf32, #tpu.memory_space<hbm>>
        %dma_start3A_22 = tpu.memref_squeeze %dma_start3A_21 : memref<1x10000x128xf32, #tpu.memory_space<hbm>> -> memref<10000x128xf32, #tpu.memory_space<hbm>>
        tpu.enqueue_dma source(%dma_start3A_22 : memref<10000x128xf32, #tpu.memory_space<hbm>>) target(%arg10 : memref<10000x128xf32, #tpu.memory_space<vmem_shared>>) target_semaphore(%run_scoped3A : memref<!tpu.dma_semaphore, #tpu.memory_space<semaphore_mem>>)
        %dma_wait3A = arith.constant 0 : i32
        %dma_wait3A_23 = arith.constant 0 : i32
        %dma_wait3A_24 = tpu.memref_slice %arg4[%arg0, %dma_wait3A, %dma_wait3A_23] : memref<2x10000x128xf32, #tpu.memory_space<hbm>> -> memref<1x10000x128xf32, #tpu.memory_space<hbm>>
        %dma_wait3A_25 = tpu.memref_squeeze %dma_wait3A_24 : memref<1x10000x128xf32, #tpu.memory_space<hbm>> -> memref<10000x128xf32, #tpu.memory_space<hbm>>
        tpu.wait_dma2 semaphore(%run_scoped3A : memref<!tpu.dma_semaphore, #tpu.memory_space<semaphore_mem>>) src(%dma_wait3A_25 : memref<10000x128xf32, #tpu.memory_space<hbm>>) dst(%arg10 : memref<10000x128xf32, #tpu.memory_space<vmem_shared>>)
        tpu.yield
      }) : () -> ()
    } else {
    }
    %barrier3A = arith.constant 0 : index
    tpu.barrier barrier_id(%barrier3A)
    %add3A_3 = arith.constant 0 : i32
    %add3A_4 = arith.addi %add3A_3, %add3A : i32
    %lt3A = arith.constant 625 : i32
    %lt3A_5 = arith.cmpi slt, %add3A_4, %lt3A : i32
    %convert_element_type3A_6 = arith.extui %lt3A_5 : i1 to i32
    %cond3A_7 = arith.constant 0 : i32
    %cond3A_8 = arith.cmpi ne, %convert_element_type3A_6, %cond3A_7 : i32
    scf.if %cond3A_8 {
      %add3A_20 = arith.constant 0 : i32
      %add3A_21 = arith.addi %add3A_20, %add3A_4 : i32
      %mul3A_22 = arith.constant 128 : i32
      %mul3A_23 = arith.muli %add3A_21, %mul3A_22 : i32
      %run_scoped3A = arith.constant 1 : i32
      "tpu.region"() ({
        %run_scoped3A_29 = tpu.sem_alloc : memref<!tpu.dma_semaphore, #tpu.memory_space<semaphore_mem>>
        %dma_start3A_30 = tpu.memref_slice %arg2[%run_scoped3A, %mul3A_23] : memref<2x160000xi32, #tpu.memory_space<hbm>> -> memref<1x128xi32, #tpu.memory_space<hbm>>
        %dma_start3A_31 = tpu.memref_squeeze %dma_start3A_30 : memref<1x128xi32, #tpu.memory_space<hbm>> -> memref<128xi32, #tpu.memory_space<hbm>>
        %dma_start3A_32 = tpu.memref_slice %arg2[%run_scoped3A, %mul3A_23] : memref<2x160000xi32, #tpu.memory_space<hbm>> -> memref<1x128xi32, #tpu.memory_space<hbm>>
        %dma_start3A_33 = tpu.memref_squeeze %dma_start3A_32 : memref<1x128xi32, #tpu.memory_space<hbm>> -> memref<128xi32, #tpu.memory_space<hbm>>
        tpu.enqueue_dma source(%dma_start3A_33 : memref<128xi32, #tpu.memory_space<hbm>>) target(%arg6 : memref<128xi32, #tpu.memory_space<vmem>>) target_semaphore(%run_scoped3A_29 : memref<!tpu.dma_semaphore, #tpu.memory_space<semaphore_mem>>)
        %dma_wait3A = tpu.memref_slice %arg2[%run_scoped3A, %mul3A_23] : memref<2x160000xi32, #tpu.memory_space<hbm>> -> memref<1x128xi32, #tpu.memory_space<hbm>>
        %dma_wait3A_34 = tpu.memref_squeeze %dma_wait3A : memref<1x128xi32, #tpu.memory_space<hbm>> -> memref<128xi32, #tpu.memory_space<hbm>>
        %dma_wait3A_35 = tpu.memref_slice %arg2[%run_scoped3A, %mul3A_23] : memref<2x160000xi32, #tpu.memory_space<hbm>> -> memref<1x128xi32, #tpu.memory_space<hbm>>
        %dma_wait3A_36 = tpu.memref_squeeze %dma_wait3A_35 : memref<1x128xi32, #tpu.memory_space<hbm>> -> memref<128xi32, #tpu.memory_space<hbm>>
        tpu.wait_dma2 semaphore(%run_scoped3A_29 : memref<!tpu.dma_semaphore, #tpu.memory_space<semaphore_mem>>) src(%dma_wait3A_36 : memref<128xi32, #tpu.memory_space<hbm>>) dst(%arg6 : memref<128xi32, #tpu.memory_space<vmem>>)
        tpu.yield
      }) : () -> ()
      %mul3A_24 = arith.constant 128 : i32
      %mul3A_25 = arith.muli %add3A_4, %mul3A_24 : i32
      %dma_start3A = arith.constant 0 : i32
      %dma_start3A_26 = tpu.memref_slice %arg3[%mul3A_25, %dma_start3A] : memref<80000x128xf32, #tpu.memory_space<hbm>> -> memref<128x128xf32, #tpu.memory_space<hbm>>
      %dma_start3A_27 = arith.constant 0 : i32
      %dma_start3A_28 = tpu.memref_slice %arg3[%mul3A_25, %dma_start3A_27] : memref<80000x128xf32, #tpu.memory_space<hbm>> -> memref<128x128xf32, #tpu.memory_space<hbm>>
      tpu.enqueue_dma source(%dma_start3A_28 : memref<128x128xf32, #tpu.memory_space<hbm>>) target(%arg8 : memref<128x128xf32, #tpu.memory_space<vmem>>) target_semaphore(%arg11 : memref<!tpu.dma_semaphore, #tpu.memory_space<semaphore_mem>>)
    } else {
    }
    %scan3A = arith.constant 0 : i32
    %scan3A_9 = arith.constant 0 : i32
    %scan3A_10 = arith.constant 20 : i32
    %scan3A_11 = arith.addi %scan3A_9, %scan3A_10 : i32
    %scan3A_12 = arith.constant 1 : i32
    scf.for %scan3A_20 = %scan3A_9 to %scan3A_11 step %scan3A_12  : i32 {
      %jit3A = arith.constant 2 : i32
      %eq3A_21 = arith.constant 0 : i32
      %eq3A_22 = arith.cmpi eq, %jit3A, %eq3A_21 : i32
      %jit3A_23 = arith.constant 1 : i32
      %select_n3A = arith.select %eq3A_22, %jit3A_23, %jit3A : i32
      %rem3A = arith.remsi %scan3A_20, %select_n3A : i32
      %ne3A = arith.constant 0 : i32
      %ne3A_24 = arith.cmpi ne, %rem3A, %ne3A : i32
      %lt3A_25 = arith.constant 0 : i32
      %lt3A_26 = arith.cmpi slt, %rem3A, %lt3A_25 : i32
      %lt3A_27 = arith.constant 0 : i32
      %lt3A_28 = arith.cmpi slt, %select_n3A, %lt3A_27 : i32
      %ne3A_29 = arith.xori %lt3A_26, %lt3A_28 : i1
      %and3A = arith.andi %ne3A_29, %ne3A_24 : i1
      %add3A_30 = arith.addi %rem3A, %select_n3A : i32
      %select_n3A_31 = arith.select %and3A, %add3A_30, %rem3A : i32
      %eq3A_32 = arith.constant 0 : i32
      %eq3A_33 = arith.cmpi eq, %select_n3A_31, %eq3A_32 : i32
      %convert_element_type3A_34 = arith.extui %eq3A_33 : i1 to i32
      %cond3A_35 = arith.constant 0 : i32
      %cond3A_36 = arith.cmpi ne, %convert_element_type3A_34, %cond3A_35 : i32
      scf.if %cond3A_36 {
        %add3A_58 = arith.constant 1 : i32
        %add3A_59 = arith.addi %scan3A_20, %add3A_58 : i32
        %mul3A_60 = arith.constant 32 : i32
        %mul3A_61 = arith.muli %add3A_59, %mul3A_60 : i32
        %add3A_62 = arith.addi %mul3A_61, %add3A : i32
        %lt3A_63 = arith.constant 625 : i32
        %lt3A_64 = arith.cmpi slt, %add3A_62, %lt3A_63 : i32
        %convert_element_type3A_65 = arith.extui %lt3A_64 : i1 to i32
        %cond3A_66 = arith.constant 0 : i32
        %cond3A_67 = arith.cmpi ne, %convert_element_type3A_65, %cond3A_66 : i32
        scf.if %cond3A_67 {
          %add3A_76 = arith.constant 0 : i32
          %add3A_77 = arith.addi %add3A_76, %add3A_62 : i32
          %mul3A_78 = arith.constant 128 : i32
          %mul3A_79 = arith.muli %add3A_77, %mul3A_78 : i32
          %run_scoped3A = arith.constant 1 : i32
          "tpu.region"() ({
            %run_scoped3A_85 = tpu.sem_alloc : memref<!tpu.dma_semaphore, #tpu.memory_space<semaphore_mem>>
            %dma_start3A_86 = tpu.memref_slice %arg2[%run_scoped3A, %mul3A_79] : memref<2x160000xi32, #tpu.memory_space<hbm>> -> memref<1x128xi32, #tpu.memory_space<hbm>>
            %dma_start3A_87 = tpu.memref_squeeze %dma_start3A_86 : memref<1x128xi32, #tpu.memory_space<hbm>> -> memref<128xi32, #tpu.memory_space<hbm>>
            %dma_start3A_88 = tpu.memref_slice %arg2[%run_scoped3A, %mul3A_79] : memref<2x160000xi32, #tpu.memory_space<hbm>> -> memref<1x128xi32, #tpu.memory_space<hbm>>
            %dma_start3A_89 = tpu.memref_squeeze %dma_start3A_88 : memref<1x128xi32, #tpu.memory_space<hbm>> -> memref<128xi32, #tpu.memory_space<hbm>>
            tpu.enqueue_dma source(%dma_start3A_89 : memref<128xi32, #tpu.memory_space<hbm>>) target(%arg7 : memref<128xi32, #tpu.memory_space<vmem>>) target_semaphore(%run_scoped3A_85 : memref<!tpu.dma_semaphore, #tpu.memory_space<semaphore_mem>>)
            %dma_wait3A = tpu.memref_slice %arg2[%run_scoped3A, %mul3A_79] : memref<2x160000xi32, #tpu.memory_space<hbm>> -> memref<1x128xi32, #tpu.memory_space<hbm>>
            %dma_wait3A_90 = tpu.memref_squeeze %dma_wait3A : memref<1x128xi32, #tpu.memory_space<hbm>> -> memref<128xi32, #tpu.memory_space<hbm>>
            %dma_wait3A_91 = tpu.memref_slice %arg2[%run_scoped3A, %mul3A_79] : memref<2x160000xi32, #tpu.memory_space<hbm>> -> memref<1x128xi32, #tpu.memory_space<hbm>>
            %dma_wait3A_92 = tpu.memref_squeeze %dma_wait3A_91 : memref<1x128xi32, #tpu.memory_space<hbm>> -> memref<128xi32, #tpu.memory_space<hbm>>
            tpu.wait_dma2 semaphore(%run_scoped3A_85 : memref<!tpu.dma_semaphore, #tpu.memory_space<semaphore_mem>>) src(%dma_wait3A_92 : memref<128xi32, #tpu.memory_space<hbm>>) dst(%arg7 : memref<128xi32, #tpu.memory_space<vmem>>)
            tpu.yield
          }) : () -> ()
          %mul3A_80 = arith.constant 128 : i32
          %mul3A_81 = arith.muli %add3A_62, %mul3A_80 : i32
          %dma_start3A = arith.constant 0 : i32
          %dma_start3A_82 = tpu.memref_slice %arg3[%mul3A_81, %dma_start3A] : memref<80000x128xf32, #tpu.memory_space<hbm>> -> memref<128x128xf32, #tpu.memory_space<hbm>>
          %dma_start3A_83 = arith.constant 0 : i32
          %dma_start3A_84 = tpu.memref_slice %arg3[%mul3A_81, %dma_start3A_83] : memref<80000x128xf32, #tpu.memory_space<hbm>> -> memref<128x128xf32, #tpu.memory_space<hbm>>
          tpu.enqueue_dma source(%dma_start3A_84 : memref<128x128xf32, #tpu.memory_space<hbm>>) target(%arg9 : memref<128x128xf32, #tpu.memory_space<vmem>>) target_semaphore(%arg12 : memref<!tpu.dma_semaphore, #tpu.memory_space<semaphore_mem>>)
        } else {
        }
        %mul3A_68 = arith.constant 32 : i32
        %mul3A_69 = arith.muli %scan3A_20, %mul3A_68 : i32
        %add3A_70 = arith.addi %mul3A_69, %add3A : i32
        %lt3A_71 = arith.constant 625 : i32
        %lt3A_72 = arith.cmpi slt, %add3A_70, %lt3A_71 : i32
        %convert_element_type3A_73 = arith.extui %lt3A_72 : i1 to i32
        %cond3A_74 = arith.constant 0 : i32
        %cond3A_75 = arith.cmpi ne, %convert_element_type3A_73, %cond3A_74 : i32
        scf.if %cond3A_75 {
          %mul3A_76 = arith.constant 128 : i32
          %mul3A_77 = arith.muli %add3A_70, %mul3A_76 : i32
          %dma_wait3A = arith.constant 0 : i32
          %dma_wait3A_78 = tpu.memref_slice %arg3[%mul3A_77, %dma_wait3A] : memref<80000x128xf32, #tpu.memory_space<hbm>> -> memref<128x128xf32, #tpu.memory_space<hbm>>
          %dma_wait3A_79 = arith.constant 0 : i32
          %dma_wait3A_80 = tpu.memref_slice %arg3[%mul3A_77, %dma_wait3A_79] : memref<80000x128xf32, #tpu.memory_space<hbm>> -> memref<128x128xf32, #tpu.memory_space<hbm>>
          tpu.wait_dma2 semaphore(%arg11 : memref<!tpu.dma_semaphore, #tpu.memory_space<semaphore_mem>>) src(%dma_wait3A_80 : memref<128x128xf32, #tpu.memory_space<hbm>>) dst(%arg8 : memref<128x128xf32, #tpu.memory_space<vmem>>)
          "tpu.region"() ({
            %run_scoped3A = tpu.sem_alloc : memref<!tpu.dma_semaphore, #tpu.memory_space<semaphore_mem>>
            %dma_start3A = arith.constant 0 : i32
            %dma_start3A_81 = arith.constant 0 : i32
            %dma_start3A_82 = tpu.memref_slice %arg10[%dma_start3A, %dma_start3A_81] : memref<10000x128xf32, #tpu.memory_space<vmem_shared>> -> memref<10000x128xf32, #tpu.memory_space<vmem_shared>>
            tpu.enqueue_indirect_dma source(%arg8 : memref<128x128xf32, #tpu.memory_space<vmem>>) target(%dma_start3A_82 : memref<10000x128xf32, #tpu.memory_space<vmem_shared>>) offsets(%arg6 : memref<128xi32, #tpu.memory_space<vmem>>) semaphore(%run_scoped3A : memref<!tpu.dma_semaphore, #tpu.memory_space<semaphore_mem>>) {add = true}
            %dma_wait3A_83 = arith.constant 0 : i32
            %dma_wait3A_84 = arith.constant 0 : i32
            %dma_wait3A_85 = tpu.memref_slice %arg10[%dma_wait3A_83, %dma_wait3A_84] : memref<10000x128xf32, #tpu.memory_space<vmem_shared>> -> memref<10000x128xf32, #tpu.memory_space<vmem_shared>>
            tpu.wait_indirect_dma semaphore(%run_scoped3A : memref<!tpu.dma_semaphore, #tpu.memory_space<semaphore_mem>>) src(%arg8 : memref<128x128xf32, #tpu.memory_space<vmem>>) dst(%dma_wait3A_85 : memref<10000x128xf32, #tpu.memory_space<vmem_shared>>)
            tpu.yield
          }) : () -> ()
        } else {
        }
      } else {
      }
      %jit3A_37 = arith.constant 2 : i32
      %eq3A_38 = arith.constant 0 : i32
      %eq3A_39 = arith.cmpi eq, %jit3A_37, %eq3A_38 : i32
      %jit3A_40 = arith.constant 1 : i32
      %select_n3A_41 = arith.select %eq3A_39, %jit3A_40, %jit3A_37 : i32
      %rem3A_42 = arith.remsi %scan3A_20, %select_n3A_41 : i32
      %ne3A_43 = arith.constant 0 : i32
      %ne3A_44 = arith.cmpi ne, %rem3A_42, %ne3A_43 : i32
      %lt3A_45 = arith.constant 0 : i32
      %lt3A_46 = arith.cmpi slt, %rem3A_42, %lt3A_45 : i32
      %lt3A_47 = arith.constant 0 : i32
      %lt3A_48 = arith.cmpi slt, %select_n3A_41, %lt3A_47 : i32
      %ne3A_49 = arith.xori %lt3A_46, %lt3A_48 : i1
      %and3A_50 = arith.andi %ne3A_49, %ne3A_44 : i1
      %add3A_51 = arith.addi %rem3A_42, %select_n3A_41 : i32
      %select_n3A_52 = arith.select %and3A_50, %add3A_51, %rem3A_42 : i32
      %eq3A_53 = arith.constant 1 : i32
      %eq3A_54 = arith.cmpi eq, %select_n3A_52, %eq3A_53 : i32
      %convert_element_type3A_55 = arith.extui %eq3A_54 : i1 to i32
      %cond3A_56 = arith.constant 0 : i32
      %cond3A_57 = arith.cmpi ne, %convert_element_type3A_55, %cond3A_56 : i32
      scf.if %cond3A_57 {
        %add3A_58 = arith.constant 1 : i32
        %add3A_59 = arith.addi %scan3A_20, %add3A_58 : i32
        %mul3A_60 = arith.constant 32 : i32
        %mul3A_61 = arith.muli %add3A_59, %mul3A_60 : i32
        %add3A_62 = arith.addi %mul3A_61, %add3A : i32
        %lt3A_63 = arith.constant 625 : i32
        %lt3A_64 = arith.cmpi slt, %add3A_62, %lt3A_63 : i32
        %convert_element_type3A_65 = arith.extui %lt3A_64 : i1 to i32
        %cond3A_66 = arith.constant 0 : i32
        %cond3A_67 = arith.cmpi ne, %convert_element_type3A_65, %cond3A_66 : i32
        scf.if %cond3A_67 {
          %add3A_76 = arith.constant 0 : i32
          %add3A_77 = arith.addi %add3A_76, %add3A_62 : i32
          %mul3A_78 = arith.constant 128 : i32
          %mul3A_79 = arith.muli %add3A_77, %mul3A_78 : i32
          %run_scoped3A = arith.constant 1 : i32
          "tpu.region"() ({
            %run_scoped3A_85 = tpu.sem_alloc : memref<!tpu.dma_semaphore, #tpu.memory_space<semaphore_mem>>
            %dma_start3A_86 = tpu.memref_slice %arg2[%run_scoped3A, %mul3A_79] : memref<2x160000xi32, #tpu.memory_space<hbm>> -> memref<1x128xi32, #tpu.memory_space<hbm>>
            %dma_start3A_87 = tpu.memref_squeeze %dma_start3A_86 : memref<1x128xi32, #tpu.memory_space<hbm>> -> memref<128xi32, #tpu.memory_space<hbm>>
            %dma_start3A_88 = tpu.memref_slice %arg2[%run_scoped3A, %mul3A_79] : memref<2x160000xi32, #tpu.memory_space<hbm>> -> memref<1x128xi32, #tpu.memory_space<hbm>>
            %dma_start3A_89 = tpu.memref_squeeze %dma_start3A_88 : memref<1x128xi32, #tpu.memory_space<hbm>> -> memref<128xi32, #tpu.memory_space<hbm>>
            tpu.enqueue_dma source(%dma_start3A_89 : memref<128xi32, #tpu.memory_space<hbm>>) target(%arg6 : memref<128xi32, #tpu.memory_space<vmem>>) target_semaphore(%run_scoped3A_85 : memref<!tpu.dma_semaphore, #tpu.memory_space<semaphore_mem>>)
            %dma_wait3A = tpu.memref_slice %arg2[%run_scoped3A, %mul3A_79] : memref<2x160000xi32, #tpu.memory_space<hbm>> -> memref<1x128xi32, #tpu.memory_space<hbm>>
            %dma_wait3A_90 = tpu.memref_squeeze %dma_wait3A : memref<1x128xi32, #tpu.memory_space<hbm>> -> memref<128xi32, #tpu.memory_space<hbm>>
            %dma_wait3A_91 = tpu.memref_slice %arg2[%run_scoped3A, %mul3A_79] : memref<2x160000xi32, #tpu.memory_space<hbm>> -> memref<1x128xi32, #tpu.memory_space<hbm>>
            %dma_wait3A_92 = tpu.memref_squeeze %dma_wait3A_91 : memref<1x128xi32, #tpu.memory_space<hbm>> -> memref<128xi32, #tpu.memory_space<hbm>>
            tpu.wait_dma2 semaphore(%run_scoped3A_85 : memref<!tpu.dma_semaphore, #tpu.memory_space<semaphore_mem>>) src(%dma_wait3A_92 : memref<128xi32, #tpu.memory_space<hbm>>) dst(%arg6 : memref<128xi32, #tpu.memory_space<vmem>>)
            tpu.yield
          }) : () -> ()
          %mul3A_80 = arith.constant 128 : i32
          %mul3A_81 = arith.muli %add3A_62, %mul3A_80 : i32
          %dma_start3A = arith.constant 0 : i32
          %dma_start3A_82 = tpu.memref_slice %arg3[%mul3A_81, %dma_start3A] : memref<80000x128xf32, #tpu.memory_space<hbm>> -> memref<128x128xf32, #tpu.memory_space<hbm>>
          %dma_start3A_83 = arith.constant 0 : i32
          %dma_start3A_84 = tpu.memref_slice %arg3[%mul3A_81, %dma_start3A_83] : memref<80000x128xf32, #tpu.memory_space<hbm>> -> memref<128x128xf32, #tpu.memory_space<hbm>>
          tpu.enqueue_dma source(%dma_start3A_84 : memref<128x128xf32, #tpu.memory_space<hbm>>) target(%arg8 : memref<128x128xf32, #tpu.memory_space<vmem>>) target_semaphore(%arg11 : memref<!tpu.dma_semaphore, #tpu.memory_space<semaphore_mem>>)
        } else {
        }
        %mul3A_68 = arith.constant 32 : i32
        %mul3A_69 = arith.muli %scan3A_20, %mul3A_68 : i32
        %add3A_70 = arith.addi %mul3A_69, %add3A : i32
        %lt3A_71 = arith.constant 625 : i32
        %lt3A_72 = arith.cmpi slt, %add3A_70, %lt3A_71 : i32
        %convert_element_type3A_73 = arith.extui %lt3A_72 : i1 to i32
        %cond3A_74 = arith.constant 0 : i32
        %cond3A_75 = arith.cmpi ne, %convert_element_type3A_73, %cond3A_74 : i32
        scf.if %cond3A_75 {
          %mul3A_76 = arith.constant 128 : i32
          %mul3A_77 = arith.muli %add3A_70, %mul3A_76 : i32
          %dma_wait3A = arith.constant 0 : i32
          %dma_wait3A_78 = tpu.memref_slice %arg3[%mul3A_77, %dma_wait3A] : memref<80000x128xf32, #tpu.memory_space<hbm>> -> memref<128x128xf32, #tpu.memory_space<hbm>>
          %dma_wait3A_79 = arith.constant 0 : i32
          %dma_wait3A_80 = tpu.memref_slice %arg3[%mul3A_77, %dma_wait3A_79] : memref<80000x128xf32, #tpu.memory_space<hbm>> -> memref<128x128xf32, #tpu.memory_space<hbm>>
          tpu.wait_dma2 semaphore(%arg12 : memref<!tpu.dma_semaphore, #tpu.memory_space<semaphore_mem>>) src(%dma_wait3A_80 : memref<128x128xf32, #tpu.memory_space<hbm>>) dst(%arg9 : memref<128x128xf32, #tpu.memory_space<vmem>>)
          "tpu.region"() ({
            %run_scoped3A = tpu.sem_alloc : memref<!tpu.dma_semaphore, #tpu.memory_space<semaphore_mem>>
            %dma_start3A = arith.constant 0 : i32
            %dma_start3A_81 = arith.constant 0 : i32
            %dma_start3A_82 = tpu.memref_slice %arg10[%dma_start3A, %dma_start3A_81] : memref<10000x128xf32, #tpu.memory_space<vmem_shared>> -> memref<10000x128xf32, #tpu.memory_space<vmem_shared>>
            tpu.enqueue_indirect_dma source(%arg9 : memref<128x128xf32, #tpu.memory_space<vmem>>) target(%dma_start3A_82 : memref<10000x128xf32, #tpu.memory_space<vmem_shared>>) offsets(%arg7 : memref<128xi32, #tpu.memory_space<vmem>>) semaphore(%run_scoped3A : memref<!tpu.dma_semaphore, #tpu.memory_space<semaphore_mem>>) {add = true}
            %dma_wait3A_83 = arith.constant 0 : i32
            %dma_wait3A_84 = arith.constant 0 : i32
            %dma_wait3A_85 = tpu.memref_slice %arg10[%dma_wait3A_83, %dma_wait3A_84] : memref<10000x128xf32, #tpu.memory_space<vmem_shared>> -> memref<10000x128xf32, #tpu.memory_space<vmem_shared>>
            tpu.wait_indirect_dma semaphore(%run_scoped3A : memref<!tpu.dma_semaphore, #tpu.memory_space<semaphore_mem>>) src(%arg9 : memref<128x128xf32, #tpu.memory_space<vmem>>) dst(%dma_wait3A_85 : memref<10000x128xf32, #tpu.memory_space<vmem_shared>>)
            tpu.yield
          }) : () -> ()
        } else {
        }
      } else {
      }
    }
    %scan3A_13 = arith.constant 20 : i32
    %barrier3A_14 = arith.constant 0 : index
    tpu.barrier barrier_id(%barrier3A_14)
    %eq3A_15 = arith.constant 0 : i32
    %eq3A_16 = arith.cmpi eq, %arg1, %eq3A_15 : i32
    %convert_element_type3A_17 = arith.extui %eq3A_16 : i1 to i32
    %cond3A_18 = arith.constant 0 : i32
    %cond3A_19 = arith.cmpi ne, %convert_element_type3A_17, %cond3A_18 : i32
    scf.if %cond3A_19 {
      "tpu.region"() ({
        %run_scoped3A = tpu.sem_alloc : memref<!tpu.dma_semaphore, #tpu.memory_space<semaphore_mem>>
        %dma_start3A = arith.constant 0 : i32
        %dma_start3A_20 = arith.constant 0 : i32
        %dma_start3A_21 = tpu.memref_slice %arg5[%arg0, %dma_start3A, %dma_start3A_20] : memref<2x10000x128xf32, #tpu.memory_space<hbm>> -> memref<1x10000x128xf32, #tpu.memory_space<hbm>>
        %dma_start3A_22 = tpu.memref_squeeze %dma_start3A_21 : memref<1x10000x128xf32, #tpu.memory_space<hbm>> -> memref<10000x128xf32, #tpu.memory_space<hbm>>
        tpu.enqueue_dma source(%arg10 : memref<10000x128xf32, #tpu.memory_space<vmem_shared>>) target(%dma_start3A_22 : memref<10000x128xf32, #tpu.memory_space<hbm>>) target_semaphore(%run_scoped3A : memref<!tpu.dma_semaphore, #tpu.memory_space<semaphore_mem>>)
        %dma_wait3A = arith.constant 0 : i32
        %dma_wait3A_23 = arith.constant 0 : i32
        %dma_wait3A_24 = tpu.memref_slice %arg5[%arg0, %dma_wait3A, %dma_wait3A_23] : memref<2x10000x128xf32, #tpu.memory_space<hbm>> -> memref<1x10000x128xf32, #tpu.memory_space<hbm>>
        %dma_wait3A_25 = tpu.memref_squeeze %dma_wait3A_24 : memref<1x10000x128xf32, #tpu.memory_space<hbm>> -> memref<10000x128xf32, #tpu.memory_space<hbm>>
        tpu.wait_dma2 semaphore(%run_scoped3A : memref<!tpu.dma_semaphore, #tpu.memory_space<semaphore_mem>>) src(%arg10 : memref<10000x128xf32, #tpu.memory_space<vmem_shared>>) dst(%dma_wait3A_25 : memref<10000x128xf32, #tpu.memory_space<hbm>>)
        tpu.yield
      }) : () -> ()
    } else {
    }
    return
  }
}

#map = affine_map<(d0, d1) -> (0, 0)>
#map1 = affine_map<(d0, d1) -> (0, 0, 0)>
module attributes {stable_mosaic.version = 14 : i64} {
  func.func @_scatter_body(%arg0: i32, %arg1: i32, %arg2: memref<2x160000xi32, #tpu.memory_space<hbm>>, %arg3: memref<80000x128xf32, #tpu.memory_space<hbm>>, %arg4: memref<2x10000x128xf32, #tpu.memory_space<hbm>>, %arg5: memref<2x10000x128xf32, #tpu.memory_space<hbm>>, %arg6: memref<128xi32, #tpu.memory_space<vmem>>, %arg7: memref<128xi32, #tpu.memory_space<vmem>>, %arg8: memref<128x128xf32, #tpu.memory_space<vmem>>, %arg9: memref<128x128xf32, #tpu.memory_space<vmem>>, %arg10: memref<10000x128xf32, #tpu.memory_space<vmem_shared>>, %arg11: memref<!tpu.dma_semaphore, #tpu.memory_space<semaphore_mem>>, %arg12: memref<!tpu.dma_semaphore, #tpu.memory_space<semaphore_mem>>) attributes {dimension_semantics = [#tpu.dimension_semantics<core_parallel>, #tpu.dimension_semantics<subcore_parallel>], iteration_bounds = array<i64: 2, 16>, scalar_prefetch = 0 : i64, scratch_operands = 7 : i64, tpu.core_type = #tpu.core_type<sc_vector_subcore>, window_params = [{transform_indices = #map}, {transform_indices = #map}, {transform_indices = #map1}, {transform_indices = #map1}]} {
    %mul3A = arith.constant 2 : i32
    %mul3A_0 = arith.muli %arg1, %mul3A : i32
    %add3A = arith.addi %mul3A_0, %arg0 : i32
    %eq3A = arith.constant 0 : i32
    %eq3A_1 = arith.cmpi eq, %arg1, %eq3A : i32
    %convert_element_type3A = arith.extui %eq3A_1 : i1 to i32
    %cond3A = arith.constant 0 : i32
    %cond3A_2 = arith.cmpi ne, %convert_element_type3A, %cond3A : i32
    scf.if %cond3A_2 {
      "tpu.region"() ({
        %run_scoped3A = tpu.sem_alloc : memref<!tpu.dma_semaphore, #tpu.memory_space<semaphore_mem>>
        %dma_start3A = arith.constant 0 : i32
        %dma_start3A_20 = arith.constant 0 : i32
        %dma_start3A_21 = tpu.memref_slice %arg4[%arg0, %dma_start3A, %dma_start3A_20] : memref<2x10000x128xf32, #tpu.memory_space<hbm>> -> memref<1x10000x128xf32, #tpu.memory_space<hbm>>
        %dma_start3A_22 = tpu.memref_squeeze %dma_start3A_21 : memref<1x10000x128xf32, #tpu.memory_space<hbm>> -> memref<10000x128xf32, #tpu.memory_space<hbm>>
        tpu.enqueue_dma source(%dma_start3A_22 : memref<10000x128xf32, #tpu.memory_space<hbm>>) target(%arg10 : memref<10000x128xf32, #tpu.memory_space<vmem_shared>>) target_semaphore(%run_scoped3A : memref<!tpu.dma_semaphore, #tpu.memory_space<semaphore_mem>>)
        %dma_wait3A = arith.constant 0 : i32
        %dma_wait3A_23 = arith.constant 0 : i32
        %dma_wait3A_24 = tpu.memref_slice %arg4[%arg0, %dma_wait3A, %dma_wait3A_23] : memref<2x10000x128xf32, #tpu.memory_space<hbm>> -> memref<1x10000x128xf32, #tpu.memory_space<hbm>>
        %dma_wait3A_25 = tpu.memref_squeeze %dma_wait3A_24 : memref<1x10000x128xf32, #tpu.memory_space<hbm>> -> memref<10000x128xf32, #tpu.memory_space<hbm>>
        tpu.wait_dma2 semaphore(%run_scoped3A : memref<!tpu.dma_semaphore, #tpu.memory_space<semaphore_mem>>) src(%dma_wait3A_25 : memref<10000x128xf32, #tpu.memory_space<hbm>>) dst(%arg10 : memref<10000x128xf32, #tpu.memory_space<vmem_shared>>)
        tpu.yield
      }) : () -> ()
    } else {
    }
    %barrier3A = arith.constant 0 : index
    tpu.barrier barrier_id(%barrier3A)
    %add3A_3 = arith.constant 0 : i32
    %add3A_4 = arith.addi %add3A_3, %add3A : i32
    %lt3A = arith.constant 625 : i32
    %lt3A_5 = arith.cmpi slt, %add3A_4, %lt3A : i32
    %convert_element_type3A_6 = arith.extui %lt3A_5 : i1 to i32
    %cond3A_7 = arith.constant 0 : i32
    %cond3A_8 = arith.cmpi ne, %convert_element_type3A_6, %cond3A_7 : i32
    scf.if %cond3A_8 {
      %add3A_20 = arith.constant 625 : i32
      %add3A_21 = arith.addi %add3A_20, %add3A_4 : i32
      %mul3A_22 = arith.constant 128 : i32
      %mul3A_23 = arith.muli %add3A_21, %mul3A_22 : i32
      %run_scoped3A = arith.constant 1 : i32
      "tpu.region"() ({
        %run_scoped3A_29 = tpu.sem_alloc : memref<!tpu.dma_semaphore, #tpu.memory_space<semaphore_mem>>
        %dma_start3A_30 = tpu.memref_slice %arg2[%run_scoped3A, %mul3A_23] : memref<2x160000xi32, #tpu.memory_space<hbm>> -> memref<1x128xi32, #tpu.memory_space<hbm>>
        %dma_start3A_31 = tpu.memref_squeeze %dma_start3A_30 : memref<1x128xi32, #tpu.memory_space<hbm>> -> memref<128xi32, #tpu.memory_space<hbm>>
        %dma_start3A_32 = tpu.memref_slice %arg2[%run_scoped3A, %mul3A_23] : memref<2x160000xi32, #tpu.memory_space<hbm>> -> memref<1x128xi32, #tpu.memory_space<hbm>>
        %dma_start3A_33 = tpu.memref_squeeze %dma_start3A_32 : memref<1x128xi32, #tpu.memory_space<hbm>> -> memref<128xi32, #tpu.memory_space<hbm>>
        tpu.enqueue_dma source(%dma_start3A_33 : memref<128xi32, #tpu.memory_space<hbm>>) target(%arg6 : memref<128xi32, #tpu.memory_space<vmem>>) target_semaphore(%run_scoped3A_29 : memref<!tpu.dma_semaphore, #tpu.memory_space<semaphore_mem>>)
        %dma_wait3A = tpu.memref_slice %arg2[%run_scoped3A, %mul3A_23] : memref<2x160000xi32, #tpu.memory_space<hbm>> -> memref<1x128xi32, #tpu.memory_space<hbm>>
        %dma_wait3A_34 = tpu.memref_squeeze %dma_wait3A : memref<1x128xi32, #tpu.memory_space<hbm>> -> memref<128xi32, #tpu.memory_space<hbm>>
        %dma_wait3A_35 = tpu.memref_slice %arg2[%run_scoped3A, %mul3A_23] : memref<2x160000xi32, #tpu.memory_space<hbm>> -> memref<1x128xi32, #tpu.memory_space<hbm>>
        %dma_wait3A_36 = tpu.memref_squeeze %dma_wait3A_35 : memref<1x128xi32, #tpu.memory_space<hbm>> -> memref<128xi32, #tpu.memory_space<hbm>>
        tpu.wait_dma2 semaphore(%run_scoped3A_29 : memref<!tpu.dma_semaphore, #tpu.memory_space<semaphore_mem>>) src(%dma_wait3A_36 : memref<128xi32, #tpu.memory_space<hbm>>) dst(%arg6 : memref<128xi32, #tpu.memory_space<vmem>>)
        tpu.yield
      }) : () -> ()
      %mul3A_24 = arith.constant 128 : i32
      %mul3A_25 = arith.muli %add3A_4, %mul3A_24 : i32
      %dma_start3A = arith.constant 0 : i32
      %dma_start3A_26 = tpu.memref_slice %arg3[%mul3A_25, %dma_start3A] : memref<80000x128xf32, #tpu.memory_space<hbm>> -> memref<128x128xf32, #tpu.memory_space<hbm>>
      %dma_start3A_27 = arith.constant 0 : i32
      %dma_start3A_28 = tpu.memref_slice %arg3[%mul3A_25, %dma_start3A_27] : memref<80000x128xf32, #tpu.memory_space<hbm>> -> memref<128x128xf32, #tpu.memory_space<hbm>>
      tpu.enqueue_dma source(%dma_start3A_28 : memref<128x128xf32, #tpu.memory_space<hbm>>) target(%arg8 : memref<128x128xf32, #tpu.memory_space<vmem>>) target_semaphore(%arg11 : memref<!tpu.dma_semaphore, #tpu.memory_space<semaphore_mem>>)
    } else {
    }
    %scan3A = arith.constant 0 : i32
    %scan3A_9 = arith.constant 0 : i32
    %scan3A_10 = arith.constant 20 : i32
    %scan3A_11 = arith.addi %scan3A_9, %scan3A_10 : i32
    %scan3A_12 = arith.constant 1 : i32
    scf.for %scan3A_20 = %scan3A_9 to %scan3A_11 step %scan3A_12  : i32 {
      %jit3A = arith.constant 2 : i32
      %eq3A_21 = arith.constant 0 : i32
      %eq3A_22 = arith.cmpi eq, %jit3A, %eq3A_21 : i32
      %jit3A_23 = arith.constant 1 : i32
      %select_n3A = arith.select %eq3A_22, %jit3A_23, %jit3A : i32
      %rem3A = arith.remsi %scan3A_20, %select_n3A : i32
      %ne3A = arith.constant 0 : i32
      %ne3A_24 = arith.cmpi ne, %rem3A, %ne3A : i32
      %lt3A_25 = arith.constant 0 : i32
      %lt3A_26 = arith.cmpi slt, %rem3A, %lt3A_25 : i32
      %lt3A_27 = arith.constant 0 : i32
      %lt3A_28 = arith.cmpi slt, %select_n3A, %lt3A_27 : i32
      %ne3A_29 = arith.xori %lt3A_26, %lt3A_28 : i1
      %and3A = arith.andi %ne3A_29, %ne3A_24 : i1
      %add3A_30 = arith.addi %rem3A, %select_n3A : i32
      %select_n3A_31 = arith.select %and3A, %add3A_30, %rem3A : i32
      %eq3A_32 = arith.constant 0 : i32
      %eq3A_33 = arith.cmpi eq, %select_n3A_31, %eq3A_32 : i32
      %convert_element_type3A_34 = arith.extui %eq3A_33 : i1 to i32
      %cond3A_35 = arith.constant 0 : i32
      %cond3A_36 = arith.cmpi ne, %convert_element_type3A_34, %cond3A_35 : i32
      scf.if %cond3A_36 {
        %add3A_58 = arith.constant 1 : i32
        %add3A_59 = arith.addi %scan3A_20, %add3A_58 : i32
        %mul3A_60 = arith.constant 32 : i32
        %mul3A_61 = arith.muli %add3A_59, %mul3A_60 : i32
        %add3A_62 = arith.addi %mul3A_61, %add3A : i32
        %lt3A_63 = arith.constant 625 : i32
        %lt3A_64 = arith.cmpi slt, %add3A_62, %lt3A_63 : i32
        %convert_element_type3A_65 = arith.extui %lt3A_64 : i1 to i32
        %cond3A_66 = arith.constant 0 : i32
        %cond3A_67 = arith.cmpi ne, %convert_element_type3A_65, %cond3A_66 : i32
        scf.if %cond3A_67 {
          %add3A_76 = arith.constant 625 : i32
          %add3A_77 = arith.addi %add3A_76, %add3A_62 : i32
          %mul3A_78 = arith.constant 128 : i32
          %mul3A_79 = arith.muli %add3A_77, %mul3A_78 : i32
          %run_scoped3A = arith.constant 1 : i32
          "tpu.region"() ({
            %run_scoped3A_85 = tpu.sem_alloc : memref<!tpu.dma_semaphore, #tpu.memory_space<semaphore_mem>>
            %dma_start3A_86 = tpu.memref_slice %arg2[%run_scoped3A, %mul3A_79] : memref<2x160000xi32, #tpu.memory_space<hbm>> -> memref<1x128xi32, #tpu.memory_space<hbm>>
            %dma_start3A_87 = tpu.memref_squeeze %dma_start3A_86 : memref<1x128xi32, #tpu.memory_space<hbm>> -> memref<128xi32, #tpu.memory_space<hbm>>
            %dma_start3A_88 = tpu.memref_slice %arg2[%run_scoped3A, %mul3A_79] : memref<2x160000xi32, #tpu.memory_space<hbm>> -> memref<1x128xi32, #tpu.memory_space<hbm>>
            %dma_start3A_89 = tpu.memref_squeeze %dma_start3A_88 : memref<1x128xi32, #tpu.memory_space<hbm>> -> memref<128xi32, #tpu.memory_space<hbm>>
            tpu.enqueue_dma source(%dma_start3A_89 : memref<128xi32, #tpu.memory_space<hbm>>) target(%arg7 : memref<128xi32, #tpu.memory_space<vmem>>) target_semaphore(%run_scoped3A_85 : memref<!tpu.dma_semaphore, #tpu.memory_space<semaphore_mem>>)
            %dma_wait3A = tpu.memref_slice %arg2[%run_scoped3A, %mul3A_79] : memref<2x160000xi32, #tpu.memory_space<hbm>> -> memref<1x128xi32, #tpu.memory_space<hbm>>
            %dma_wait3A_90 = tpu.memref_squeeze %dma_wait3A : memref<1x128xi32, #tpu.memory_space<hbm>> -> memref<128xi32, #tpu.memory_space<hbm>>
            %dma_wait3A_91 = tpu.memref_slice %arg2[%run_scoped3A, %mul3A_79] : memref<2x160000xi32, #tpu.memory_space<hbm>> -> memref<1x128xi32, #tpu.memory_space<hbm>>
            %dma_wait3A_92 = tpu.memref_squeeze %dma_wait3A_91 : memref<1x128xi32, #tpu.memory_space<hbm>> -> memref<128xi32, #tpu.memory_space<hbm>>
            tpu.wait_dma2 semaphore(%run_scoped3A_85 : memref<!tpu.dma_semaphore, #tpu.memory_space<semaphore_mem>>) src(%dma_wait3A_92 : memref<128xi32, #tpu.memory_space<hbm>>) dst(%arg7 : memref<128xi32, #tpu.memory_space<vmem>>)
            tpu.yield
          }) : () -> ()
          %mul3A_80 = arith.constant 128 : i32
          %mul3A_81 = arith.muli %add3A_62, %mul3A_80 : i32
          %dma_start3A = arith.constant 0 : i32
          %dma_start3A_82 = tpu.memref_slice %arg3[%mul3A_81, %dma_start3A] : memref<80000x128xf32, #tpu.memory_space<hbm>> -> memref<128x128xf32, #tpu.memory_space<hbm>>
          %dma_start3A_83 = arith.constant 0 : i32
          %dma_start3A_84 = tpu.memref_slice %arg3[%mul3A_81, %dma_start3A_83] : memref<80000x128xf32, #tpu.memory_space<hbm>> -> memref<128x128xf32, #tpu.memory_space<hbm>>
          tpu.enqueue_dma source(%dma_start3A_84 : memref<128x128xf32, #tpu.memory_space<hbm>>) target(%arg9 : memref<128x128xf32, #tpu.memory_space<vmem>>) target_semaphore(%arg12 : memref<!tpu.dma_semaphore, #tpu.memory_space<semaphore_mem>>)
        } else {
        }
        %mul3A_68 = arith.constant 32 : i32
        %mul3A_69 = arith.muli %scan3A_20, %mul3A_68 : i32
        %add3A_70 = arith.addi %mul3A_69, %add3A : i32
        %lt3A_71 = arith.constant 625 : i32
        %lt3A_72 = arith.cmpi slt, %add3A_70, %lt3A_71 : i32
        %convert_element_type3A_73 = arith.extui %lt3A_72 : i1 to i32
        %cond3A_74 = arith.constant 0 : i32
        %cond3A_75 = arith.cmpi ne, %convert_element_type3A_73, %cond3A_74 : i32
        scf.if %cond3A_75 {
          %mul3A_76 = arith.constant 128 : i32
          %mul3A_77 = arith.muli %add3A_70, %mul3A_76 : i32
          %dma_wait3A = arith.constant 0 : i32
          %dma_wait3A_78 = tpu.memref_slice %arg3[%mul3A_77, %dma_wait3A] : memref<80000x128xf32, #tpu.memory_space<hbm>> -> memref<128x128xf32, #tpu.memory_space<hbm>>
          %dma_wait3A_79 = arith.constant 0 : i32
          %dma_wait3A_80 = tpu.memref_slice %arg3[%mul3A_77, %dma_wait3A_79] : memref<80000x128xf32, #tpu.memory_space<hbm>> -> memref<128x128xf32, #tpu.memory_space<hbm>>
          tpu.wait_dma2 semaphore(%arg11 : memref<!tpu.dma_semaphore, #tpu.memory_space<semaphore_mem>>) src(%dma_wait3A_80 : memref<128x128xf32, #tpu.memory_space<hbm>>) dst(%arg8 : memref<128x128xf32, #tpu.memory_space<vmem>>)
          "tpu.region"() ({
            %run_scoped3A = tpu.sem_alloc : memref<!tpu.dma_semaphore, #tpu.memory_space<semaphore_mem>>
            %dma_start3A = arith.constant 0 : i32
            %dma_start3A_81 = arith.constant 0 : i32
            %dma_start3A_82 = tpu.memref_slice %arg10[%dma_start3A, %dma_start3A_81] : memref<10000x128xf32, #tpu.memory_space<vmem_shared>> -> memref<10000x128xf32, #tpu.memory_space<vmem_shared>>
            tpu.enqueue_indirect_dma source(%arg8 : memref<128x128xf32, #tpu.memory_space<vmem>>) target(%dma_start3A_82 : memref<10000x128xf32, #tpu.memory_space<vmem_shared>>) offsets(%arg6 : memref<128xi32, #tpu.memory_space<vmem>>) semaphore(%run_scoped3A : memref<!tpu.dma_semaphore, #tpu.memory_space<semaphore_mem>>) {add = true}
            %dma_wait3A_83 = arith.constant 0 : i32
            %dma_wait3A_84 = arith.constant 0 : i32
            %dma_wait3A_85 = tpu.memref_slice %arg10[%dma_wait3A_83, %dma_wait3A_84] : memref<10000x128xf32, #tpu.memory_space<vmem_shared>> -> memref<10000x128xf32, #tpu.memory_space<vmem_shared>>
            tpu.wait_indirect_dma semaphore(%run_scoped3A : memref<!tpu.dma_semaphore, #tpu.memory_space<semaphore_mem>>) src(%arg8 : memref<128x128xf32, #tpu.memory_space<vmem>>) dst(%dma_wait3A_85 : memref<10000x128xf32, #tpu.memory_space<vmem_shared>>)
            tpu.yield
          }) : () -> ()
        } else {
        }
      } else {
      }
      %jit3A_37 = arith.constant 2 : i32
      %eq3A_38 = arith.constant 0 : i32
      %eq3A_39 = arith.cmpi eq, %jit3A_37, %eq3A_38 : i32
      %jit3A_40 = arith.constant 1 : i32
      %select_n3A_41 = arith.select %eq3A_39, %jit3A_40, %jit3A_37 : i32
      %rem3A_42 = arith.remsi %scan3A_20, %select_n3A_41 : i32
      %ne3A_43 = arith.constant 0 : i32
      %ne3A_44 = arith.cmpi ne, %rem3A_42, %ne3A_43 : i32
      %lt3A_45 = arith.constant 0 : i32
      %lt3A_46 = arith.cmpi slt, %rem3A_42, %lt3A_45 : i32
      %lt3A_47 = arith.constant 0 : i32
      %lt3A_48 = arith.cmpi slt, %select_n3A_41, %lt3A_47 : i32
      %ne3A_49 = arith.xori %lt3A_46, %lt3A_48 : i1
      %and3A_50 = arith.andi %ne3A_49, %ne3A_44 : i1
      %add3A_51 = arith.addi %rem3A_42, %select_n3A_41 : i32
      %select_n3A_52 = arith.select %and3A_50, %add3A_51, %rem3A_42 : i32
      %eq3A_53 = arith.constant 1 : i32
      %eq3A_54 = arith.cmpi eq, %select_n3A_52, %eq3A_53 : i32
      %convert_element_type3A_55 = arith.extui %eq3A_54 : i1 to i32
      %cond3A_56 = arith.constant 0 : i32
      %cond3A_57 = arith.cmpi ne, %convert_element_type3A_55, %cond3A_56 : i32
      scf.if %cond3A_57 {
        %add3A_58 = arith.constant 1 : i32
        %add3A_59 = arith.addi %scan3A_20, %add3A_58 : i32
        %mul3A_60 = arith.constant 32 : i32
        %mul3A_61 = arith.muli %add3A_59, %mul3A_60 : i32
        %add3A_62 = arith.addi %mul3A_61, %add3A : i32
        %lt3A_63 = arith.constant 625 : i32
        %lt3A_64 = arith.cmpi slt, %add3A_62, %lt3A_63 : i32
        %convert_element_type3A_65 = arith.extui %lt3A_64 : i1 to i32
        %cond3A_66 = arith.constant 0 : i32
        %cond3A_67 = arith.cmpi ne, %convert_element_type3A_65, %cond3A_66 : i32
        scf.if %cond3A_67 {
          %add3A_76 = arith.constant 625 : i32
          %add3A_77 = arith.addi %add3A_76, %add3A_62 : i32
          %mul3A_78 = arith.constant 128 : i32
          %mul3A_79 = arith.muli %add3A_77, %mul3A_78 : i32
          %run_scoped3A = arith.constant 1 : i32
          "tpu.region"() ({
            %run_scoped3A_85 = tpu.sem_alloc : memref<!tpu.dma_semaphore, #tpu.memory_space<semaphore_mem>>
            %dma_start3A_86 = tpu.memref_slice %arg2[%run_scoped3A, %mul3A_79] : memref<2x160000xi32, #tpu.memory_space<hbm>> -> memref<1x128xi32, #tpu.memory_space<hbm>>
            %dma_start3A_87 = tpu.memref_squeeze %dma_start3A_86 : memref<1x128xi32, #tpu.memory_space<hbm>> -> memref<128xi32, #tpu.memory_space<hbm>>
            %dma_start3A_88 = tpu.memref_slice %arg2[%run_scoped3A, %mul3A_79] : memref<2x160000xi32, #tpu.memory_space<hbm>> -> memref<1x128xi32, #tpu.memory_space<hbm>>
            %dma_start3A_89 = tpu.memref_squeeze %dma_start3A_88 : memref<1x128xi32, #tpu.memory_space<hbm>> -> memref<128xi32, #tpu.memory_space<hbm>>
            tpu.enqueue_dma source(%dma_start3A_89 : memref<128xi32, #tpu.memory_space<hbm>>) target(%arg6 : memref<128xi32, #tpu.memory_space<vmem>>) target_semaphore(%run_scoped3A_85 : memref<!tpu.dma_semaphore, #tpu.memory_space<semaphore_mem>>)
            %dma_wait3A = tpu.memref_slice %arg2[%run_scoped3A, %mul3A_79] : memref<2x160000xi32, #tpu.memory_space<hbm>> -> memref<1x128xi32, #tpu.memory_space<hbm>>
            %dma_wait3A_90 = tpu.memref_squeeze %dma_wait3A : memref<1x128xi32, #tpu.memory_space<hbm>> -> memref<128xi32, #tpu.memory_space<hbm>>
            %dma_wait3A_91 = tpu.memref_slice %arg2[%run_scoped3A, %mul3A_79] : memref<2x160000xi32, #tpu.memory_space<hbm>> -> memref<1x128xi32, #tpu.memory_space<hbm>>
            %dma_wait3A_92 = tpu.memref_squeeze %dma_wait3A_91 : memref<1x128xi32, #tpu.memory_space<hbm>> -> memref<128xi32, #tpu.memory_space<hbm>>
            tpu.wait_dma2 semaphore(%run_scoped3A_85 : memref<!tpu.dma_semaphore, #tpu.memory_space<semaphore_mem>>) src(%dma_wait3A_92 : memref<128xi32, #tpu.memory_space<hbm>>) dst(%arg6 : memref<128xi32, #tpu.memory_space<vmem>>)
            tpu.yield
          }) : () -> ()
          %mul3A_80 = arith.constant 128 : i32
          %mul3A_81 = arith.muli %add3A_62, %mul3A_80 : i32
          %dma_start3A = arith.constant 0 : i32
          %dma_start3A_82 = tpu.memref_slice %arg3[%mul3A_81, %dma_start3A] : memref<80000x128xf32, #tpu.memory_space<hbm>> -> memref<128x128xf32, #tpu.memory_space<hbm>>
          %dma_start3A_83 = arith.constant 0 : i32
          %dma_start3A_84 = tpu.memref_slice %arg3[%mul3A_81, %dma_start3A_83] : memref<80000x128xf32, #tpu.memory_space<hbm>> -> memref<128x128xf32, #tpu.memory_space<hbm>>
          tpu.enqueue_dma source(%dma_start3A_84 : memref<128x128xf32, #tpu.memory_space<hbm>>) target(%arg8 : memref<128x128xf32, #tpu.memory_space<vmem>>) target_semaphore(%arg11 : memref<!tpu.dma_semaphore, #tpu.memory_space<semaphore_mem>>)
        } else {
        }
        %mul3A_68 = arith.constant 32 : i32
        %mul3A_69 = arith.muli %scan3A_20, %mul3A_68 : i32
        %add3A_70 = arith.addi %mul3A_69, %add3A : i32
        %lt3A_71 = arith.constant 625 : i32
        %lt3A_72 = arith.cmpi slt, %add3A_70, %lt3A_71 : i32
        %convert_element_type3A_73 = arith.extui %lt3A_72 : i1 to i32
        %cond3A_74 = arith.constant 0 : i32
        %cond3A_75 = arith.cmpi ne, %convert_element_type3A_73, %cond3A_74 : i32
        scf.if %cond3A_75 {
          %mul3A_76 = arith.constant 128 : i32
          %mul3A_77 = arith.muli %add3A_70, %mul3A_76 : i32
          %dma_wait3A = arith.constant 0 : i32
          %dma_wait3A_78 = tpu.memref_slice %arg3[%mul3A_77, %dma_wait3A] : memref<80000x128xf32, #tpu.memory_space<hbm>> -> memref<128x128xf32, #tpu.memory_space<hbm>>
          %dma_wait3A_79 = arith.constant 0 : i32
          %dma_wait3A_80 = tpu.memref_slice %arg3[%mul3A_77, %dma_wait3A_79] : memref<80000x128xf32, #tpu.memory_space<hbm>> -> memref<128x128xf32, #tpu.memory_space<hbm>>
          tpu.wait_dma2 semaphore(%arg12 : memref<!tpu.dma_semaphore, #tpu.memory_space<semaphore_mem>>) src(%dma_wait3A_80 : memref<128x128xf32, #tpu.memory_space<hbm>>) dst(%arg9 : memref<128x128xf32, #tpu.memory_space<vmem>>)
          "tpu.region"() ({
            %run_scoped3A = tpu.sem_alloc : memref<!tpu.dma_semaphore, #tpu.memory_space<semaphore_mem>>
            %dma_start3A = arith.constant 0 : i32
            %dma_start3A_81 = arith.constant 0 : i32
            %dma_start3A_82 = tpu.memref_slice %arg10[%dma_start3A, %dma_start3A_81] : memref<10000x128xf32, #tpu.memory_space<vmem_shared>> -> memref<10000x128xf32, #tpu.memory_space<vmem_shared>>
            tpu.enqueue_indirect_dma source(%arg9 : memref<128x128xf32, #tpu.memory_space<vmem>>) target(%dma_start3A_82 : memref<10000x128xf32, #tpu.memory_space<vmem_shared>>) offsets(%arg7 : memref<128xi32, #tpu.memory_space<vmem>>) semaphore(%run_scoped3A : memref<!tpu.dma_semaphore, #tpu.memory_space<semaphore_mem>>) {add = true}
            %dma_wait3A_83 = arith.constant 0 : i32
            %dma_wait3A_84 = arith.constant 0 : i32
            %dma_wait3A_85 = tpu.memref_slice %arg10[%dma_wait3A_83, %dma_wait3A_84] : memref<10000x128xf32, #tpu.memory_space<vmem_shared>> -> memref<10000x128xf32, #tpu.memory_space<vmem_shared>>
            tpu.wait_indirect_dma semaphore(%run_scoped3A : memref<!tpu.dma_semaphore, #tpu.memory_space<semaphore_mem>>) src(%arg9 : memref<128x128xf32, #tpu.memory_space<vmem>>) dst(%dma_wait3A_85 : memref<10000x128xf32, #tpu.memory_space<vmem_shared>>)
            tpu.yield
          }) : () -> ()
        } else {
        }
      } else {
      }
    }
    %scan3A_13 = arith.constant 20 : i32
    %barrier3A_14 = arith.constant 0 : index
    tpu.barrier barrier_id(%barrier3A_14)
    %eq3A_15 = arith.constant 0 : i32
    %eq3A_16 = arith.cmpi eq, %arg1, %eq3A_15 : i32
    %convert_element_type3A_17 = arith.extui %eq3A_16 : i1 to i32
    %cond3A_18 = arith.constant 0 : i32
    %cond3A_19 = arith.cmpi ne, %convert_element_type3A_17, %cond3A_18 : i32
    scf.if %cond3A_19 {
      "tpu.region"() ({
        %run_scoped3A = tpu.sem_alloc : memref<!tpu.dma_semaphore, #tpu.memory_space<semaphore_mem>>
        %dma_start3A = arith.constant 0 : i32
        %dma_start3A_20 = arith.constant 0 : i32
        %dma_start3A_21 = tpu.memref_slice %arg5[%arg0, %dma_start3A, %dma_start3A_20] : memref<2x10000x128xf32, #tpu.memory_space<hbm>> -> memref<1x10000x128xf32, #tpu.memory_space<hbm>>
        %dma_start3A_22 = tpu.memref_squeeze %dma_start3A_21 : memref<1x10000x128xf32, #tpu.memory_space<hbm>> -> memref<10000x128xf32, #tpu.memory_space<hbm>>
        tpu.enqueue_dma source(%arg10 : memref<10000x128xf32, #tpu.memory_space<vmem_shared>>) target(%dma_start3A_22 : memref<10000x128xf32, #tpu.memory_space<hbm>>) target_semaphore(%run_scoped3A : memref<!tpu.dma_semaphore, #tpu.memory_space<semaphore_mem>>)
        %dma_wait3A = arith.constant 0 : i32
        %dma_wait3A_23 = arith.constant 0 : i32
        %dma_wait3A_24 = tpu.memref_slice %arg5[%arg0, %dma_wait3A, %dma_wait3A_23] : memref<2x10000x128xf32, #tpu.memory_space<hbm>> -> memref<1x10000x128xf32, #tpu.memory_space<hbm>>
        %dma_wait3A_25 = tpu.memref_squeeze %dma_wait3A_24 : memref<1x10000x128xf32, #tpu.memory_space<hbm>> -> memref<10000x128xf32, #tpu.memory_space<hbm>>
        tpu.wait_dma2 semaphore(%run_scoped3A : memref<!tpu.dma_semaphore, #tpu.memory_space<semaphore_mem>>) src(%arg10 : memref<10000x128xf32, #tpu.memory_space<vmem_shared>>) dst(%dma_wait3A_25 : memref<10000x128xf32, #tpu.memory_space<hbm>>)
        tpu.yield
      }) : () -> ()
    } else {
    }
    return
  }
}

module attributes {stable_mosaic.version = 14 : i64} {
  func.func @_edge_body(%arg0: i32, %arg1: memref<2000x128xf32, #tpu.memory_space<vmem>>, %arg2: memref<2000x16xbf16, #tpu.memory_space<vmem>>, %arg3: memref<16x1024xbf16, #tpu.memory_space<vmem>>, %arg4: memref<1x1024xbf16, #tpu.memory_space<vmem>>, %arg5: memref<1024x128xbf16, #tpu.memory_space<vmem>>, %arg6: memref<2000x128xf32, #tpu.memory_space<vmem>>) attributes {dimension_semantics = [#tpu.dimension_semantics<arbitrary>], iteration_bounds = array<i64: 40>, scalar_prefetch = 0 : i64, scratch_operands = 0 : i64, tpu.core_type = #tpu.core_type<tc>, window_params = [{transform_indices = @transform_0, window_bounds = array<i64: 2000, 128>}, {transform_indices = @transform_1, window_bounds = array<i64: 2000, 16>}, {pipeline_mode = #tpu.pipeline_mode<synchronous>, transform_indices = @transform_2, window_bounds = array<i64: 16, 1024>}, {pipeline_mode = #tpu.pipeline_mode<synchronous>, transform_indices = @transform_3, window_bounds = array<i64: 1, 1024>}, {pipeline_mode = #tpu.pipeline_mode<synchronous>, transform_indices = @transform_4, window_bounds = array<i64: 1024, 128>}, {transform_indices = @transform_5, window_bounds = array<i64: 2000, 128>}]} {
    %get3A = arith.constant 0 : index
    %get3A_0 = arith.constant 0 : index
    %get3A_1 = vector.load %arg2[%get3A, %get3A_0] : memref<2000x16xbf16, #tpu.memory_space<vmem>>, vector<2000x16xbf16>
    %get3A_2 = arith.constant 0 : index
    %get3A_3 = arith.constant 0 : index
    %get3A_4 = vector.load %arg3[%get3A_2, %get3A_3] : memref<16x1024xbf16, #tpu.memory_space<vmem>>, vector<16x1024xbf16>
    %dot_general3A = arith.constant dense<0.000000e+00> : vector<2000x1024xf32>
    %dot_general3A_5 = tpu.matmul %get3A_1, %get3A_4, %dot_general3A {dimension_numbers = #tpu.dot_dimension_numbers<[1], [0], [0], [1], [0, 0, 1, 1], [], []>, transpose_lhs_hint = false} : vector<2000x16xbf16>, vector<16x1024xbf16>, vector<2000x1024xf32> -> vector<2000x1024xf32>
    %convert_element_type3A = arith.truncf %dot_general3A_5 : vector<2000x1024xf32> to vector<2000x1024xbf16>
    %get3A_6 = arith.constant 0 : index
    %get3A_7 = arith.constant 0 : index
    %get3A_8 = vector.load %arg4[%get3A_6, %get3A_7] : memref<1x1024xbf16, #tpu.memory_space<vmem>>, vector<1x1024xbf16>
    %add3A = vector.broadcast %get3A_8 : vector<1x1024xbf16> to vector<2000x1024xbf16>
    %add3A_9 = arith.addf %convert_element_type3A, %add3A : vector<2000x1024xbf16>
    %max3A = arith.constant 0.000000e+00 : bf16
    %max3A_10 = vector.broadcast %max3A : bf16 to vector<2000x1024xbf16>
    %max3A_11 = arith.maximumf %add3A_9, %max3A_10 : vector<2000x1024xbf16>
    %get3A_12 = arith.constant 0 : index
    %get3A_13 = arith.constant 0 : index
    %get3A_14 = vector.load %arg1[%get3A_12, %get3A_13] : memref<2000x128xf32, #tpu.memory_space<vmem>>, vector<2000x128xf32>
    %convert_element_type3A_15 = arith.truncf %get3A_14 : vector<2000x128xf32> to vector<2000x128xbf16>
    %concatenate3A = tpu.concatenate %convert_element_type3A_15, %convert_element_type3A_15, %convert_element_type3A_15, %convert_element_type3A_15, %convert_element_type3A_15, %convert_element_type3A_15, %convert_element_type3A_15, %convert_element_type3A_15 in 1 : vector<2000x128xbf16>, vector<2000x128xbf16>, vector<2000x128xbf16>, vector<2000x128xbf16>, vector<2000x128xbf16>, vector<2000x128xbf16>, vector<2000x128xbf16>, vector<2000x128xbf16> -> vector<2000x1024xbf16>
    %mul3A = arith.mulf %concatenate3A, %max3A_11 : vector<2000x1024xbf16>
    %get3A_16 = arith.constant 0 : index
    %get3A_17 = arith.constant 0 : index
    %get3A_18 = vector.load %arg5[%get3A_16, %get3A_17] : memref<1024x128xbf16, #tpu.memory_space<vmem>>, vector<1024x128xbf16>
    %dot_general3A_19 = arith.constant dense<0.000000e+00> : vector<2000x128xf32>
    %dot_general3A_20 = tpu.matmul %mul3A, %get3A_18, %dot_general3A_19 {dimension_numbers = #tpu.dot_dimension_numbers<[1], [0], [0], [1], [0, 0, 1, 1], [], []>, transpose_lhs_hint = false} : vector<2000x1024xbf16>, vector<1024x128xbf16>, vector<2000x128xf32> -> vector<2000x128xf32>
    %swap3A = arith.constant 0 : index
    %swap3A_21 = arith.constant 0 : index
    %swap3A_22 = vector.load %arg6[%swap3A, %swap3A_21] : memref<2000x128xf32, #tpu.memory_space<vmem>>, vector<2000x128xf32>
    tpu.vector_store %arg6[%swap3A, %swap3A_21], %dot_general3A_20 {strides = array<i32>} : memref<2000x128xf32, #tpu.memory_space<vmem>>, vector<2000x128xf32>,
    return
  }
  func.func @transform_0(%arg0: i32) -> (i32, i32) {
    %c0_i32 = arith.constant 0 : i32
    %c0_i32_0 = arith.constant 0 : i32
    return %arg0, %c0_i32 : i32, i32
  }
  func.func @transform_1(%arg0: i32) -> (i32, i32) {
    %add3A = arith.constant 0 : i32
    %add3A_0 = arith.addi %add3A, %arg0 : i32
    %c0_i32 = arith.constant 0 : i32
    %c0_i32_1 = arith.constant 0 : i32
    return %add3A_0, %c0_i32 : i32, i32
  }
  func.func @transform_2(%arg0: i32) -> (i32, i32) {
    %c0_i32 = arith.constant 0 : i32
    %c0_i32_0 = arith.constant 0 : i32
    %c0_i32_1 = arith.constant 0 : i32
    return %c0_i32, %c0_i32_0 : i32, i32
  }
  func.func @transform_3(%arg0: i32) -> (i32, i32) {
    %c0_i32 = arith.constant 0 : i32
    %c0_i32_0 = arith.constant 0 : i32
    %c0_i32_1 = arith.constant 0 : i32
    return %c0_i32, %c0_i32_0 : i32, i32
  }
  func.func @transform_4(%arg0: i32) -> (i32, i32) {
    %c0_i32 = arith.constant 0 : i32
    %c0_i32_0 = arith.constant 0 : i32
    %c0_i32_1 = arith.constant 0 : i32
    return %c0_i32, %c0_i32_0 : i32, i32
  }
  func.func @transform_5(%arg0: i32) -> (i32, i32) {
    %c0_i32 = arith.constant 0 : i32
    %c0_i32_0 = arith.constant 0 : i32
    return %arg0, %c0_i32 : i32, i32
  }
}

module attributes {stable_mosaic.version = 14 : i64} {
  func.func @_edge_body(%arg0: i32, %arg1: memref<2000x128xf32, #tpu.memory_space<vmem>>, %arg2: memref<2000x16xbf16, #tpu.memory_space<vmem>>, %arg3: memref<16x1024xbf16, #tpu.memory_space<vmem>>, %arg4: memref<1x1024xbf16, #tpu.memory_space<vmem>>, %arg5: memref<1024x128xbf16, #tpu.memory_space<vmem>>, %arg6: memref<2000x128xf32, #tpu.memory_space<vmem>>) attributes {dimension_semantics = [#tpu.dimension_semantics<arbitrary>], iteration_bounds = array<i64: 40>, scalar_prefetch = 0 : i64, scratch_operands = 0 : i64, tpu.core_type = #tpu.core_type<tc>, window_params = [{transform_indices = @transform_0, window_bounds = array<i64: 2000, 128>}, {transform_indices = @transform_1, window_bounds = array<i64: 2000, 16>}, {pipeline_mode = #tpu.pipeline_mode<synchronous>, transform_indices = @transform_2, window_bounds = array<i64: 16, 1024>}, {pipeline_mode = #tpu.pipeline_mode<synchronous>, transform_indices = @transform_3, window_bounds = array<i64: 1, 1024>}, {pipeline_mode = #tpu.pipeline_mode<synchronous>, transform_indices = @transform_4, window_bounds = array<i64: 1024, 128>}, {transform_indices = @transform_5, window_bounds = array<i64: 2000, 128>}]} {
    %get3A = arith.constant 0 : index
    %get3A_0 = arith.constant 0 : index
    %get3A_1 = vector.load %arg2[%get3A, %get3A_0] : memref<2000x16xbf16, #tpu.memory_space<vmem>>, vector<2000x16xbf16>
    %get3A_2 = arith.constant 0 : index
    %get3A_3 = arith.constant 0 : index
    %get3A_4 = vector.load %arg3[%get3A_2, %get3A_3] : memref<16x1024xbf16, #tpu.memory_space<vmem>>, vector<16x1024xbf16>
    %dot_general3A = arith.constant dense<0.000000e+00> : vector<2000x1024xf32>
    %dot_general3A_5 = tpu.matmul %get3A_1, %get3A_4, %dot_general3A {dimension_numbers = #tpu.dot_dimension_numbers<[1], [0], [0], [1], [0, 0, 1, 1], [], []>, transpose_lhs_hint = false} : vector<2000x16xbf16>, vector<16x1024xbf16>, vector<2000x1024xf32> -> vector<2000x1024xf32>
    %convert_element_type3A = arith.truncf %dot_general3A_5 : vector<2000x1024xf32> to vector<2000x1024xbf16>
    %get3A_6 = arith.constant 0 : index
    %get3A_7 = arith.constant 0 : index
    %get3A_8 = vector.load %arg4[%get3A_6, %get3A_7] : memref<1x1024xbf16, #tpu.memory_space<vmem>>, vector<1x1024xbf16>
    %add3A = vector.broadcast %get3A_8 : vector<1x1024xbf16> to vector<2000x1024xbf16>
    %add3A_9 = arith.addf %convert_element_type3A, %add3A : vector<2000x1024xbf16>
    %max3A = arith.constant 0.000000e+00 : bf16
    %max3A_10 = vector.broadcast %max3A : bf16 to vector<2000x1024xbf16>
    %max3A_11 = arith.maximumf %add3A_9, %max3A_10 : vector<2000x1024xbf16>
    %get3A_12 = arith.constant 0 : index
    %get3A_13 = arith.constant 0 : index
    %get3A_14 = vector.load %arg1[%get3A_12, %get3A_13] : memref<2000x128xf32, #tpu.memory_space<vmem>>, vector<2000x128xf32>
    %convert_element_type3A_15 = arith.truncf %get3A_14 : vector<2000x128xf32> to vector<2000x128xbf16>
    %concatenate3A = tpu.concatenate %convert_element_type3A_15, %convert_element_type3A_15, %convert_element_type3A_15, %convert_element_type3A_15, %convert_element_type3A_15, %convert_element_type3A_15, %convert_element_type3A_15, %convert_element_type3A_15 in 1 : vector<2000x128xbf16>, vector<2000x128xbf16>, vector<2000x128xbf16>, vector<2000x128xbf16>, vector<2000x128xbf16>, vector<2000x128xbf16>, vector<2000x128xbf16>, vector<2000x128xbf16> -> vector<2000x1024xbf16>
    %mul3A = arith.mulf %concatenate3A, %max3A_11 : vector<2000x1024xbf16>
    %get3A_16 = arith.constant 0 : index
    %get3A_17 = arith.constant 0 : index
    %get3A_18 = vector.load %arg5[%get3A_16, %get3A_17] : memref<1024x128xbf16, #tpu.memory_space<vmem>>, vector<1024x128xbf16>
    %dot_general3A_19 = arith.constant dense<0.000000e+00> : vector<2000x128xf32>
    %dot_general3A_20 = tpu.matmul %mul3A, %get3A_18, %dot_general3A_19 {dimension_numbers = #tpu.dot_dimension_numbers<[1], [0], [0], [1], [0, 0, 1, 1], [], []>, transpose_lhs_hint = false} : vector<2000x1024xbf16>, vector<1024x128xbf16>, vector<2000x128xf32> -> vector<2000x128xf32>
    %swap3A = arith.constant 0 : index
    %swap3A_21 = arith.constant 0 : index
    %swap3A_22 = vector.load %arg6[%swap3A, %swap3A_21] : memref<2000x128xf32, #tpu.memory_space<vmem>>, vector<2000x128xf32>
    tpu.vector_store %arg6[%swap3A, %swap3A_21], %dot_general3A_20 {strides = array<i32>} : memref<2000x128xf32, #tpu.memory_space<vmem>>, vector<2000x128xf32>,
    return
  }
  func.func @transform_0(%arg0: i32) -> (i32, i32) {
    %c0_i32 = arith.constant 0 : i32
    %c0_i32_0 = arith.constant 0 : i32
    return %arg0, %c0_i32 : i32, i32
  }
  func.func @transform_1(%arg0: i32) -> (i32, i32) {
    %add3A = arith.constant 40 : i32
    %add3A_0 = arith.addi %add3A, %arg0 : i32
    %c0_i32 = arith.constant 0 : i32
    %c0_i32_1 = arith.constant 0 : i32
    return %add3A_0, %c0_i32 : i32, i32
  }
  func.func @transform_2(%arg0: i32) -> (i32, i32) {
    %c0_i32 = arith.constant 0 : i32
    %c0_i32_0 = arith.constant 0 : i32
    %c0_i32_1 = arith.constant 0 : i32
    return %c0_i32, %c0_i32_0 : i32, i32
  }
  func.func @transform_3(%arg0: i32) -> (i32, i32) {
    %c0_i32 = arith.constant 0 : i32
    %c0_i32_0 = arith.constant 0 : i32
    %c0_i32_1 = arith.constant 0 : i32
    return %c0_i32, %c0_i32_0 : i32, i32
  }
  func.func @transform_4(%arg0: i32) -> (i32, i32) {
    %c0_i32 = arith.constant 0 : i32
    %c0_i32_0 = arith.constant 0 : i32
    %c0_i32_1 = arith.constant 0 : i32
    return %c0_i32, %c0_i32_0 : i32, i32
  }
  func.func @transform_5(%arg0: i32) -> (i32, i32) {
    %c0_i32 = arith.constant 0 : i32
    %c0_i32_0 = arith.constant 0 : i32
    return %arg0, %c0_i32 : i32, i32
  }
}

module attributes {stable_mosaic.version = 14 : i64} {
  func.func @_node_body(%arg0: i32, %arg1: memref<1000x128xf32, #tpu.memory_space<vmem>>, %arg2: memref<2x1000x128xf32, #tpu.memory_space<vmem>>, %arg3: memref<128x8xf32, #tpu.memory_space<vmem>>, %arg4: memref<1x8xf32, #tpu.memory_space<vmem>>, %arg5: memref<1x8xf32, #tpu.memory_space<vmem>>, %arg6: memref<1x8xf32, #tpu.memory_space<vmem>>, %arg7: memref<8x64xf32, #tpu.memory_space<vmem>>, %arg8: memref<1x64xf32, #tpu.memory_space<vmem>>, %arg9: memref<64x64xf32, #tpu.memory_space<vmem>>, %arg10: memref<1x64xf32, #tpu.memory_space<vmem>>, %arg11: memref<64x8xf32, #tpu.memory_space<vmem>>, %arg12: memref<1x8xf32, #tpu.memory_space<vmem>>, %arg13: memref<1000x8xf32, #tpu.memory_space<vmem>>) attributes {dimension_semantics = [#tpu.dimension_semantics<arbitrary>], iteration_bounds = array<i64: 10>, scalar_prefetch = 0 : i64, scratch_operands = 0 : i64, tpu.core_type = #tpu.core_type<tc>, window_params = [{transform_indices = @transform_0, window_bounds = array<i64: 1000, 128>}, {transform_indices = @transform_1, window_bounds = array<i64: 2, 1000, 128>}, {pipeline_mode = #tpu.pipeline_mode<synchronous>, transform_indices = @transform_2, window_bounds = array<i64: 128, 8>}, {pipeline_mode = #tpu.pipeline_mode<synchronous>, transform_indices = @transform_3, window_bounds = array<i64: 1, 8>}, {pipeline_mode = #tpu.pipeline_mode<synchronous>, transform_indices = @transform_4, window_bounds = array<i64: 1, 8>}, {pipeline_mode = #tpu.pipeline_mode<synchronous>, transform_indices = @transform_5, window_bounds = array<i64: 1, 8>}, {pipeline_mode = #tpu.pipeline_mode<synchronous>, transform_indices = @transform_6, window_bounds = array<i64: 8, 64>}, {pipeline_mode = #tpu.pipeline_mode<synchronous>, transform_indices = @transform_7, window_bounds = array<i64: 1, 64>}, {pipeline_mode = #tpu.pipeline_mode<synchronous>, transform_indices = @transform_8, window_bounds = array<i64: 64, 64>}, {pipeline_mode = #tpu.pipeline_mode<synchronous>, transform_indices = @transform_9, window_bounds = array<i64: 1, 64>}, {pipeline_mode = #tpu.pipeline_mode<synchronous>, transform_indices = @transform_10, window_bounds = array<i64: 64, 8>}, {pipeline_mode = #tpu.pipeline_mode<synchronous>, transform_indices = @transform_11, window_bounds = array<i64: 1, 8>}, {transform_indices = @transform_12, window_bounds = array<i64: 1000, 8>}]} {
    %get3A = arith.constant 0 : index
    %get3A_0 = arith.constant 0 : index
    %get3A_1 = arith.constant 0 : index
    %get3A_2 = vector.load %arg2[%get3A, %get3A_0, %get3A_1] : memref<2x1000x128xf32, #tpu.memory_space<vmem>>, vector<1x1000x8xf32>
    %get3A_3 = vector.shape_cast %get3A_2 : vector<1x1000x8xf32> to vector<1000x8xf32>
    %get3A_4 = arith.constant 1 : index
    %get3A_5 = arith.constant 0 : index
    %get3A_6 = arith.constant 0 : index
    %get3A_7 = vector.load %arg2[%get3A_4, %get3A_5, %get3A_6] : memref<2x1000x128xf32, #tpu.memory_space<vmem>>, vector<1x1000x8xf32>
    %get3A_8 = vector.shape_cast %get3A_7 : vector<1x1000x8xf32> to vector<1000x8xf32>
    %add3A = arith.addf %get3A_3, %get3A_8 : vector<1000x8xf32>
    %get3A_9 = arith.constant 0 : index
    %get3A_10 = arith.constant 0 : index
    %get3A_11 = vector.load %arg4[%get3A_9, %get3A_10] : memref<1x8xf32, #tpu.memory_space<vmem>>, vector<1x8xf32>
    %add3A_12 = vector.broadcast %get3A_11 : vector<1x8xf32> to vector<1000x8xf32>
    %add3A_13 = arith.addf %add3A, %add3A_12 : vector<1000x8xf32>
    %get3A_14 = arith.constant 0 : index
    %get3A_15 = arith.constant 0 : index
    %get3A_16 = vector.load %arg1[%get3A_14, %get3A_15] : memref<1000x128xf32, #tpu.memory_space<vmem>>, vector<1000x128xf32>
    %get3A_17 = arith.constant 0 : index
    %get3A_18 = arith.constant 0 : index
    %get3A_19 = vector.load %arg3[%get3A_17, %get3A_18] : memref<128x8xf32, #tpu.memory_space<vmem>>, vector<128x8xf32>
    %dot_general3A = arith.constant dense<0.000000e+00> : vector<1000x8xf32>
    %dot_general3A_20 = tpu.matmul %get3A_16, %get3A_19, %dot_general3A {dimension_numbers = #tpu.dot_dimension_numbers<[1], [0], [0], [1], [0, 0, 1, 1], [], []>, transpose_lhs_hint = false} : vector<1000x128xf32>, vector<128x8xf32>, vector<1000x8xf32> -> vector<1000x8xf32>
    %add3A_21 = arith.addf %add3A_13, %dot_general3A_20 : vector<1000x8xf32>
    %reduce_sum3A = arith.constant dense<0.000000e+00> : vector<1000xf32>
    %reduce_sum3A_22 = vector.multi_reduction <add>, %add3A_21, %reduce_sum3A [1] : vector<1000x8xf32> to vector<1000xf32>
    %broadcast_in_dim3A = vector.shape_cast %reduce_sum3A_22 : vector<1000xf32> to vector<1000x1xf32>
    %div3A = arith.constant 8.000000e+00 : f32
    %div3A_23 = vector.broadcast %div3A : f32 to vector<1000x1xf32>
    %div3A_24 = arith.divf %broadcast_in_dim3A, %div3A_23 : vector<1000x1xf32>
    %sub3A = vector.broadcast %div3A_24 : vector<1000x1xf32> to vector<1000x8xf32>
    %sub3A_25 = arith.subf %add3A_21, %sub3A : vector<1000x8xf32>
    %square3A = arith.mulf %sub3A_25, %sub3A_25 : vector<1000x8xf32>
    %reduce_sum3A_26 = arith.constant dense<0.000000e+00> : vector<1000xf32>
    %reduce_sum3A_27 = vector.multi_reduction <add>, %square3A, %reduce_sum3A_26 [1] : vector<1000x8xf32> to vector<1000xf32>
    %broadcast_in_dim3A_28 = vector.shape_cast %reduce_sum3A_27 : vector<1000xf32> to vector<1000x1xf32>
    %div3A_29 = arith.constant 8.000000e+00 : f32
    %div3A_30 = vector.broadcast %div3A_29 : f32 to vector<1000x1xf32>
    %div3A_31 = arith.divf %broadcast_in_dim3A_28, %div3A_30 : vector<1000x1xf32>
    %sub3A_32 = vector.broadcast %div3A_24 : vector<1000x1xf32> to vector<1000x8xf32>
    %sub3A_33 = arith.subf %add3A_21, %sub3A_32 : vector<1000x8xf32>
    %add3A_34 = arith.constant 9.99999974E-6 : f32
    %add3A_35 = vector.broadcast %add3A_34 : f32 to vector<1000x1xf32>
    %add3A_36 = arith.addf %div3A_31, %add3A_35 : vector<1000x1xf32>
    %rsqrt3A = math.rsqrt %add3A_36 : vector<1000x1xf32>
    %mul3A = vector.broadcast %rsqrt3A : vector<1000x1xf32> to vector<1000x8xf32>
    %mul3A_37 = arith.mulf %sub3A_33, %mul3A : vector<1000x8xf32>
    %get3A_38 = arith.constant 0 : index
    %get3A_39 = arith.constant 0 : index
    %get3A_40 = vector.load %arg5[%get3A_38, %get3A_39] : memref<1x8xf32, #tpu.memory_space<vmem>>, vector<1x8xf32>
    %mul3A_41 = vector.broadcast %get3A_40 : vector<1x8xf32> to vector<1000x8xf32>
    %mul3A_42 = arith.mulf %mul3A_37, %mul3A_41 : vector<1000x8xf32>
    %get3A_43 = arith.constant 0 : index
    %get3A_44 = arith.constant 0 : index
    %get3A_45 = vector.load %arg6[%get3A_43, %get3A_44] : memref<1x8xf32, #tpu.memory_space<vmem>>, vector<1x8xf32>
    %add3A_46 = vector.broadcast %get3A_45 : vector<1x8xf32> to vector<1000x8xf32>
    %add3A_47 = arith.addf %mul3A_42, %add3A_46 : vector<1000x8xf32>
    %max3A = arith.constant 0.000000e+00 : f32
    %max3A_48 = vector.broadcast %max3A : f32 to vector<1000x8xf32>
    %max3A_49 = arith.maximumf %add3A_47, %max3A_48 : vector<1000x8xf32>
    %get3A_50 = arith.constant 0 : index
    %get3A_51 = arith.constant 0 : index
    %get3A_52 = vector.load %arg7[%get3A_50, %get3A_51] : memref<8x64xf32, #tpu.memory_space<vmem>>, vector<8x64xf32>
    %dot_general3A_53 = arith.constant dense<0.000000e+00> : vector<1000x64xf32>
    %dot_general3A_54 = tpu.matmul %max3A_49, %get3A_52, %dot_general3A_53 {dimension_numbers = #tpu.dot_dimension_numbers<[1], [0], [0], [1], [0, 0, 1, 1], [], []>, transpose_lhs_hint = false} : vector<1000x8xf32>, vector<8x64xf32>, vector<1000x64xf32> -> vector<1000x64xf32>
    %get3A_55 = arith.constant 0 : index
    %get3A_56 = arith.constant 0 : index
    %get3A_57 = vector.load %arg8[%get3A_55, %get3A_56] : memref<1x64xf32, #tpu.memory_space<vmem>>, vector<1x64xf32>
    %add3A_58 = vector.broadcast %get3A_57 : vector<1x64xf32> to vector<1000x64xf32>
    %add3A_59 = arith.addf %dot_general3A_54, %add3A_58 : vector<1000x64xf32>
    %get3A_60 = arith.constant 0 : index
    %get3A_61 = arith.constant 0 : index
    %get3A_62 = vector.load %arg9[%get3A_60, %get3A_61] : memref<64x64xf32, #tpu.memory_space<vmem>>, vector<64x64xf32>
    %dot_general3A_63 = arith.constant dense<0.000000e+00> : vector<1000x64xf32>
    %dot_general3A_64 = tpu.matmul %add3A_59, %get3A_62, %dot_general3A_63 {dimension_numbers = #tpu.dot_dimension_numbers<[1], [0], [0], [1], [0, 0, 1, 1], [], []>, transpose_lhs_hint = false} : vector<1000x64xf32>, vector<64x64xf32>, vector<1000x64xf32> -> vector<1000x64xf32>
    %get3A_65 = arith.constant 0 : index
    %get3A_66 = arith.constant 0 : index
    %get3A_67 = vector.load %arg10[%get3A_65, %get3A_66] : memref<1x64xf32, #tpu.memory_space<vmem>>, vector<1x64xf32>
    %add3A_68 = vector.broadcast %get3A_67 : vector<1x64xf32> to vector<1000x64xf32>
    %add3A_69 = arith.addf %dot_general3A_64, %add3A_68 : vector<1000x64xf32>
    %max3A_70 = arith.constant 0.000000e+00 : f32
    %max3A_71 = vector.broadcast %max3A_70 : f32 to vector<1000x64xf32>
    %max3A_72 = arith.maximumf %add3A_69, %max3A_71 : vector<1000x64xf32>
    %get3A_73 = arith.constant 0 : index
    %get3A_74 = arith.constant 0 : index
    %get3A_75 = vector.load %arg11[%get3A_73, %get3A_74] : memref<64x8xf32, #tpu.memory_space<vmem>>, vector<64x8xf32>
    %dot_general3A_76 = arith.constant dense<0.000000e+00> : vector<1000x8xf32>
    %dot_general3A_77 = tpu.matmul %max3A_72, %get3A_75, %dot_general3A_76 {dimension_numbers = #tpu.dot_dimension_numbers<[1], [0], [0], [1], [0, 0, 1, 1], [], []>, transpose_lhs_hint = false} : vector<1000x64xf32>, vector<64x8xf32>, vector<1000x8xf32> -> vector<1000x8xf32>
    %get3A_78 = arith.constant 0 : index
    %get3A_79 = arith.constant 0 : index
    %get3A_80 = vector.load %arg12[%get3A_78, %get3A_79] : memref<1x8xf32, #tpu.memory_space<vmem>>, vector<1x8xf32>
    %add3A_81 = vector.broadcast %get3A_80 : vector<1x8xf32> to vector<1000x8xf32>
    %add3A_82 = arith.addf %dot_general3A_77, %add3A_81 : vector<1000x8xf32>
    %swap3A = arith.constant 0 : index
    %swap3A_83 = arith.constant 0 : index
    %swap3A_84 = vector.load %arg13[%swap3A, %swap3A_83] : memref<1000x8xf32, #tpu.memory_space<vmem>>, vector<1000x8xf32>
    tpu.vector_store %arg13[%swap3A, %swap3A_83], %add3A_82 {strides = array<i32>} : memref<1000x8xf32, #tpu.memory_space<vmem>>, vector<1000x8xf32>,
    return
  }
  func.func @transform_0(%arg0: i32) -> (i32, i32) {
    %c0_i32 = arith.constant 0 : i32
    %c0_i32_0 = arith.constant 0 : i32
    return %arg0, %c0_i32 : i32, i32
  }
  func.func @transform_1(%arg0: i32) -> (i32, i32, i32) {
    %c0_i32 = arith.constant 0 : i32
    %c0_i32_0 = arith.constant 0 : i32
    %c0_i32_1 = arith.constant 0 : i32
    return %c0_i32, %arg0, %c0_i32_0 : i32, i32, i32
  }
  func.func @transform_2(%arg0: i32) -> (i32, i32) {
    %c0_i32 = arith.constant 0 : i32
    %c0_i32_0 = arith.constant 0 : i32
    %c0_i32_1 = arith.constant 0 : i32
    return %c0_i32, %c0_i32_0 : i32, i32
  }
  func.func @transform_3(%arg0: i32) -> (i32, i32) {
    %c0_i32 = arith.constant 0 : i32
    %c0_i32_0 = arith.constant 0 : i32
    %c0_i32_1 = arith.constant 0 : i32
    return %c0_i32, %c0_i32_0 : i32, i32
  }
  func.func @transform_4(%arg0: i32) -> (i32, i32) {
    %c0_i32 = arith.constant 0 : i32
    %c0_i32_0 = arith.constant 0 : i32
    %c0_i32_1 = arith.constant 0 : i32
    return %c0_i32, %c0_i32_0 : i32, i32
  }
  func.func @transform_5(%arg0: i32) -> (i32, i32) {
    %c0_i32 = arith.constant 0 : i32
    %c0_i32_0 = arith.constant 0 : i32
    %c0_i32_1 = arith.constant 0 : i32
    return %c0_i32, %c0_i32_0 : i32, i32
  }
  func.func @transform_6(%arg0: i32) -> (i32, i32) {
    %c0_i32 = arith.constant 0 : i32
    %c0_i32_0 = arith.constant 0 : i32
    %c0_i32_1 = arith.constant 0 : i32
    return %c0_i32, %c0_i32_0 : i32, i32
  }
  func.func @transform_7(%arg0: i32) -> (i32, i32) {
    %c0_i32 = arith.constant 0 : i32
    %c0_i32_0 = arith.constant 0 : i32
    %c0_i32_1 = arith.constant 0 : i32
    return %c0_i32, %c0_i32_0 : i32, i32
  }
  func.func @transform_8(%arg0: i32) -> (i32, i32) {
    %c0_i32 = arith.constant 0 : i32
    %c0_i32_0 = arith.constant 0 : i32
    %c0_i32_1 = arith.constant 0 : i32
    return %c0_i32, %c0_i32_0 : i32, i32
  }
  func.func @transform_9(%arg0: i32) -> (i32, i32) {
    %c0_i32 = arith.constant 0 : i32
    %c0_i32_0 = arith.constant 0 : i32
    %c0_i32_1 = arith.constant 0 : i32
    return %c0_i32, %c0_i32_0 : i32, i32
  }
  func.func @transform_10(%arg0: i32) -> (i32, i32) {
    %c0_i32 = arith.constant 0 : i32
    %c0_i32_0 = arith.constant 0 : i32
    %c0_i32_1 = arith.constant 0 : i32
    return %c0_i32, %c0_i32_0 : i32, i32
  }
  func.func @transform_11(%arg0: i32) -> (i32, i32) {
    %c0_i32 = arith.constant 0 : i32
    %c0_i32_0 = arith.constant 0 : i32
    %c0_i32_1 = arith.constant 0 : i32
    return %c0_i32, %c0_i32_0 : i32, i32
  }
  func.func @transform_12(%arg0: i32) -> (i32, i32) {
    %c0_i32 = arith.constant 0 : i32
    %c0_i32_0 = arith.constant 0 : i32
    return %arg0, %c0_i32 : i32, i32
  }
}

</mosaic_0001>

<sc_bundles>
// kernel: kernel.12.cloned.1.call-start
scs
__scs_entry_jumppad:
0x0: {  	(pc) =	sbr.rel $0x88, $3  }
0x1: {  	(tag) =	ssettag $0x0;
	lr =	simm.s32 $0x1  }
0x2: {  	[smem:$0x3F92] =	sst lr;
	_ =	strace $0xD0000000  }
0x3: {  	_ = 	snop  }
0x4: {  	_ = 	snop  }
0x5: {  	_ = 	snop  }
0x6: {  	_ = 	snop  }
0x7: {  	_ = 	snop  }
__scs_overlays_trampoline_lowered:
0x8: {  	[smem:$0x3FA1] =	sst s0  }
0x9: {  	[smem:$0x3FA2] =	sst s1  }
0xa: {  	[smem:$0x3FA3] =	sst s2  }
0xb: {  	[smem:$0x3FA4] =	sst s3  }
0xc: {  	[smem:$0x3FA5] =	sst s4  }
0xd: {  	[smem:$0x3FA6] =	sst s5  }
0xe: {  	[smem:$0x3FA7] =	sst s6  }
0xf: {  	[smem:$0x3FA8] =	sst s7  }
0x10: {  	[smem:$0x3FA9] =	sst s8  }
0x11: {  	[smem:$0x3FAA] =	sst s9;
	s0 =	simm.s32 @!p0 $0x0  }
0x12: {  	s1 =	sld [smem:$0x3F90];
	s0 =	simm.s32 @p0 $0x1  }
0x13: {  	[smem:$0x3FAB] =	sst s0;
	s0 =	simm.s32 @!p1 $0x0  }
0x14: {  	s2 =	sld [smem:$0x3F8F];
	s0 =	simm.s32 @p1 $0x1  }
0x15: {  	[smem:$0x3FAC] =	sst s0;
	s0 =	simm.s32 @!p2 $0x0  }
0x16: {  	s3 =	sld [smem:$0x3FDB];
	s0 =	simm.s32 @p2 $0x1  }
0x17: {  	s4 =	simm.s32 $0x1BF5;
	[smem:$0x3FAE] =	sst s0  }
0x18: {  	s0 =	sld [smem:$0x3F91];
	_ =	swait.ge [sflag:s4], $0x0  }
0x19: {  	s7 =	sld [smem:$0x3F92]  }
0x1a: {  	s8 =	sadd.s32 $0xFFFFE003, lr  }
0x1b: {  	s9 =	sadd.s32 $0xFFFFFEF7, lr;
	s5 =	simm.s32 $0xFFFFFFFF;
	p2 =	slt.u32 s8, $0xFFFFF086  }
0x1c: {  	p1 =	slt.u32 s9, $0xF7A;
	s5 =	simm.s32 @!p2 $0x0  }
0x1d: {  	s5 =	simm.s32 @p1 $0x1;
	p0 =	seq.s32 s7, s2  }
0x1e: {  	s7 =	smul.u32 @!p0 $0xF7A, s2;
	p2 =	seq.s32 @!p0 s5, $0x0  }
0x1f: {  	s9 =	smul.u32 $0xF7A, s1;
	s8 =	simm.s32 @!p0 $0x1BF5;
	p2 =	por !p2, p0  }
0x20: {  	[sflag:s8] =	ssyncset.s32 @!p0 $0xFFFFF086;
	s6 =	sadd.s32 @!p0 s3, s7;
	s7 =	simm.s32 @!p0 $0x108  }
0x21: {  	s3 =	sadd.s32 s3, s9;
	s6 =	sadd.s32 @!p0 $0x88, s6;
	s7 =	simm.s32 @p2 $0x1082  }
0x22: {  	[simem:s7], [sflag:s8] =	dma.local @!p0 [hbm:s6], $0xF7A  }
0x23: {  	s9 =	sor.u32 $0xD0000000, s2;
	s6 =	simm.s32 $0x108;
	_ =	swait.ge @!p0 [sflag:s8], $0x0  }
0x24: {  	s3 =	sadd.s32 $0x88, s3;
	s6 =	simm.s32 @!p1 $0x1082;
	[sflag:s4] =	ssyncset.s32 $0xFFFFF086  }
0x25: {  	[simem:s6], [sflag:s4] =	dma.local [hbm:s3], $0xF7A  }
0x26: {  	[smem:$0x3F92] =	sst s1;
	(tag) =	ssettag s2;
	_ =	strace s9  }
0x27: {  	s1 =	sld [smem:$0x3FA2]  }
0x28: {  	s2 =	sld [smem:$0x3FA3]  }
0x29: {  	s4 =	sld [smem:$0x3FA5]  }
0x2a: {  	p0 =	seq.s32 s5, $0x0;
	s5 =	sld [smem:$0x3FA6]  }
0x2b: {  	s6 =	sld [smem:$0x3FA7]  }
0x2c: {  	s7 =	sld [smem:$0x3FA8]  }
0x2d: {  	s3 =	simm.s32 $0x108;
	s8 =	sld [smem:$0x3FA9]  }
0x2e: {  	s3 =	simm.s32 @!p0 $0x1082;
	s9 =	sld [smem:$0x3FAA]  }
0x2f: {  	lr =	sadd.s32 s0, s3;
	s0 =	sld [smem:$0x3FA1]  }
0x30: {  	s3 =	sld [smem:$0x3FA4]  }
0x31: {  	[smem:$0x3FAD] =	sst s10  }
0x32: {  	s10 =	sld [smem:$0x3FAB];
	_ =	sdelay $0x3  }
0x33: {  	p0 =	seq.s32 s10, $0x1;
	s10 =	sld [smem:$0x3FAD];
	_ =	sdelay $0x3  }
0x34: {  	[smem:$0x3FAD] =	sst s10  }
0x35: {  	s10 =	sld [smem:$0x3FAC];
	_ =	sdelay $0x3  }
0x36: {  	p1 =	seq.s32 s10, $0x1;
	s10 =	sld [smem:$0x3FAD];
	_ =	sdelay $0x3  }
0x37: {  	[smem:$0x3FAD] =	sst s10  }
0x38: {  	s10 =	sld [smem:$0x3FAE]  }
0x39: {  	_ = 	snop;
	(pc) =	sbr.ind lr, $3  }
0x3a: {  	_ = 	snop  }
0x3b: {  	_ = 	snop  }
0x3c: {  	p2 =	seq.s32 s10, $0x1;
	s10 =	sld [smem:$0x3FAD]  }
0x3d: {  	_ =	shalt  }
0x3e: {  	_ =	shalt  }
0x3f: {  	_ =	shalt  }
0x40: {  	_ =	shalt  }
0x41: {  	_ =	shalt  }
0x42: {  	_ =	shalt  }
0x43: {  	_ =	shalt  }
0x44: {  	_ =	shalt  }
0x45: {  	_ =	shalt  }
0x46: {  	_ =	shalt  }
0x47: {  	_ =	shalt  }
0x48: {  	_ =	shalt  }
0x49: {  	_ =	shalt  }
0x4a: {  	_ =	shalt  }
0x4b: {  	_ =	shalt  }
0x4c: {  	_ =	shalt  }
0x4d: {  	_ =	shalt  }
0x4e: {  	_ =	shalt  }
0x4f: {  	_ =	shalt  }
0x50: {  	_ =	shalt  }
0x51: {  	_ =	shalt  }
0x52: {  	_ =	shalt  }
0x53: {  	_ =	shalt  }
0x54: {  	_ =	shalt  }
0x55: {  	_ =	shalt  }
0x56: {  	_ =	shalt  }
0x57: {  	_ =	shalt  }
0x58: {  	_ =	shalt  }
0x59: {  	_ =	shalt  }
0x5a: {  	_ =	shalt  }
0x5b: {  	_ =	shalt  }
0x5c: {  	_ =	shalt  }
0x5d: {  	_ =	shalt  }
0x5e: {  	_ =	shalt  }
0x5f: {  	_ =	shalt  }
0x60: {  	_ =	shalt  }
0x61: {  	_ =	shalt  }
0x62: {  	_ =	shalt  }
0x63: {  	_ =	shalt  }
0x64: {  	_ =	shalt  }
0x65: {  	_ =	shalt  }
0x66: {  	_ =	shalt  }
0x67: {  	_ =	shalt  }
0x68: {  	_ =	shalt  }
0x69: {  	_ =	shalt  }
0x6a: {  	_ =	shalt  }
0x6b: {  	_ =	shalt  }
0x6c: {  	_ =	shalt  }
0x6d: {  	_ =	shalt  }
0x6e: {  	_ =	shalt  }
0x6f: {  	_ =	shalt  }
0x70: {  	_ =	shalt  }
0x71: {  	_ =	shalt  }
0x72: {  	_ =	shalt  }
0x73: {  	_ =	shalt  }
0x74: {  	_ =	shalt  }
0x75: {  	_ =	shalt  }
0x76: {  	_ =	shalt  }
0x77: {  	_ =	shalt  }
0x78: {  	_ =	shalt  }
0x79: {  	_ =	shalt  }
0x7a: {  	_ =	shalt  }
0x7b: {  	_ =	shalt  }
0x7c: {  	_ =	shalt  }
0x7d: {  	_ =	shalt  }
0x7e: {  	_ =	shalt  }
0x7f: {  	_ =	shalt  }
0x80: {  	_ =	shalt  }
0x81: {  	_ =	shalt  }
0x82: {  	_ =	shalt  }
0x83: {  	_ =	shalt  }
0x84: {  	_ =	shalt  }
0x85: {  	_ =	shalt  }
0x86: {  	_ =	shalt  }
0x87: {  	_ =	shalt  }
.Lfunc_end0:
.L_simem_size_0:
called_computation.1_lowered:
.L_overlay_start_0:
0x88: {  	s2 =	sld [smem:$0x3FD9]  }
0x89: {  	s3 =	sld [smem:$0x3FFE];
	_ =	sdelay $0x1  }
0x8a: {  	s1 =	srdreg.scid  }
0x8b: {  	s0 =	sand.u32 $0x1, s1  }
0x8c: {  	s17 =	sshll.u32 s0, $0xA;
	s2 =	sadd.s32 s3, s2  }
0x8d: {  	s2 =	sadd.s32 s2, s17  }
0x8e: {  	[smem:$0x3FB9] =	sst s2  }
0x8f: {  	_ = 	snop  }
0x90: {  	s18 =	sld [smem:$0x3FC9]  }
0x91: {  	s4 =	sld [smem:$0x3FC8];
	(tm) =	ssettm $0x1  }
0x92: {  	s19 =	sld [smem:$0x3FFB];
	_ =	sdelay $0x3  }
0x93: {  	_ =	strace s19  }
0x94: {  	s2 =	sld [smem:$0x3FFC];
	_ =	sdelay $0x3  }
0x95: {  	_ =	strace s2  }
0x96: {  	s2 =	sld [smem:$0x3FFD];
	_ =	sdelay $0x3  }
0x97: {  	_ =	strace s2  }
0x98: {  	_ =	strace $0x8FFFFFFF  }
0x99: {  	s20 =	sld [smem:$0x3FDB];
	_ =	sdelay $0x1  }
0x9a: {  	s5 =	simm.s32 $_scs_section_size  }
0x9b: {  	s6 =	simm.s32 $_size__tile_overlayer_lowered;
	s7 =	simm.s32 $_tile_overlayer_lowered  }
0x9c: {  	s8 =	simm.s32 $0x1BFF;
	s21 =	sshll.u32 s7, $0x1;
	s5 =	sadd.s32 s5, s20  }
0x9d: {  	s22 =	simm.s32 $0x0;
	s6 =	sshll.u32 s6, $0x1;
	s7 =	sadd.s32 s21, s5  }
0x9e: {  	[timem:s22], [sflag:s8] =	dma.local [hbm:s7], s6  }
0x9f: {  	_ =	swait.ge [sflag:s8], s6  }
0xa0: {  	s6 =	ssub.s32 $0x0, s6;
	[sflag:s8] =	ssyncset.done $0x0  }
0xa1: {  	[sflag:s8] =	ssyncadd.s32 s6;
	_ =	sdelay $0x1  }
0xa2: {  	s23 =	simm.s32 $0x1B8B  }
0xa3: {  	_ =	swait.ge [sflag:s23], $0x1  }
0xa4: {  	[sflag:s23] =	ssyncset.done $0x0  }
0xa5: {  	[sflag:s23] =	ssyncadd.s32 $0xFFFFFFFF  }
0xa6: {  	s6 =	sld [smem:$0x0]  }
0xa7: {  	s7 =	sand.u32 $0xFFFFFFFE, s1  }
0xa8: {  	p0 =	sne.s32 s1, s7  }
0xa9: {  	s7 =	sshll.u32 @p0 s7, $0xE  }
0xaa: {  	s7 =	sadd.s32 @p0 $0x11B8D, s7;
	s8 =	sshll.u32 @p0 s6, $0x11  }
0xab: {  	s7 =	sor.u32 @p0 s8, s7  }
0xac: {  	[sflag:s7] =	ssyncadd.remote.s32 @p0 $0x1;
	_ =	sdelay $0x1  }
0xad: {  	s7 =	simm.s32 @p0 $0x1B8D  }
0xae: {  	_ =	swait.eq @p0 [sflag:s7], $0x1  }
0xaf: {  	[sflag:s7] =	ssyncadd.s32 @p0 $0xFFFFFFFF  }
0xb0: {  	s8 =	sshll.u32 @!p0 s1, $0xE  }
0xb1: {  	s8 =	sor.u32 @!p0 $0x4000, s8;
	s7 =	simm.s32 @!p0 $0x1B8D  }
0xb2: {  	s6 =	sshll.u32 @!p0 s6, $0x11;
	s8 =	sadd.s32 @!p0 $0x11B8D, s8;
	_ =	swait.eq @!p0 [sflag:s7], $0x1  }
0xb3: {  	s6 =	sor.u32 @!p0 s6, s8;
	[sflag:s7] =	ssyncadd.s32 @!p0 $0xFFFFFFFF  }
0xb4: {  	s25 =	simm.s32 $0x1B8E;
	s24 =	sld [smem:$0x3FFE];
	[sflag:s6] =	ssyncadd.remote.s32 @!p0 $0x1  }
0xb5: {  	s26 =	simm.s32 $execute0_lowered;
	[smem:$0x3FD2] =	sst s25  }
0xb6: {  	s7 =	sshll.u32 s26, $0x1;
	_ =	strace $0x80000049;
	[dreg:$0x1] =	wrdreg $0xFFFFFFFF  }
0xb7: {  	s28 =	simm.s32 $_size_execute0_lowered;
	s5 =	sadd.s32 s5, s7;
	[dreg:$0x0] =	wrdreg $0x0  }
0xb8: {  	s7 =	sshll.u32 s28, $0x1;
	[dreg:$0x2] =	wrdreg s5  }
0xb9: {  	[dreg:$0x3] =	wrdreg s7  }
0xba: {  	[dreg:$0x4] =	wrdreg $0xC0  }
0xbb: {  	_ =	task [dreg:s22], $0x5FFFF  }
0xbc: {  	[dreg:$0x1] =	wrdreg $0xFFFFFFFF  }
0xbd: {  	[dreg:$0x0] =	wrdreg $0x60  }
0xbe: {  	[dreg:$0x2] =	wrdreg s4  }
0xbf: {  	[dreg:$0x3] =	wrdreg s18  }
0xc0: {  	[dreg:$0x4] =	wrdreg s24  }
0xc1: {  	[dreg:$0x5] =	wrdreg $0x9  }
0xc2: {  	_ =	task.clear_ibuf [dreg:s22], $0x6FFFF;
	_ =	strace $0x90000049  }
0xc3: {  	s29 =	simm.s32 $0x9;
	_ =	strace $0x8000004B  }
0xc4: {  	_ =	swait.ge [sflag:s29], $0x1  }
0xc5: {  	[sflag:s29] =	ssyncadd.s32 $0xFFFFFFFF  }
0xc6: {  	_ =	strace $0x9000004B  }
0xc7: {  	_ =	sfence  }
0xc8: {  	s30 =	sld [smem:$0x0];
	_ =	sdelay $0x2  }
0xc9: {  	s31 =	sshll.u32 s1, $0xD;
	s1 =	sshrl.u32 s1, $0x2  }
0xca: {  	s4 =	sand.u32 $0x4000, s31;
	s1 =	sadd.s32 s1, s30  }
0xcb: {  	s0 =	sor.u32 s4, s0;
	s1 =	sshll.u32 s1, $0x11  }
0xcc: {  	s0 =	sor.u32 s1, s0  }
0xcd: {  	s0 =	sadd.s32 $0x8F2B, s0  }
0xce: {  	[sflag:s0] =	ssyncadd.remote.s32 $0x1  }
0xcf: {  	_ =	sfence.sel $0xFFFF  }
0xd0: {  	[dreg:$0x0] =	wrdreg $0xFFFFFFFF;
	(pc) =	sbr.abs _section_cstart, $3  }
0xd1: {  	[dreg:$0x1] =	wrdreg $0xFFFFFFFF  }
0xd2: {  	_ =	task.clear_ibuf [dreg:s22], $0x2FFFF;
	_ =	strace $0x9FFFFFFF  }
0xd3: {  	(tm) =	ssettm $0x7FFFFFFF  }
tec
execute0_lowered:
.L_overlay_start_1:
0x0: {  	(tag) =	ssettag $0x1  }
0x1: {  	s6 =	rddreg [dreg:$0x0]  }
0x2: {  	s2 =	rddreg [dreg:$0x1]  }
0x3: {  	s5 =	rddreg [dreg:$0x2]  }
0x4: {  	s0 =	rddreg [dreg:$0x3]  }
0x5: {  	s3 =	simm.s32 $0x0;
	s1 =	stileid.u32;
	s4 =	srdreg.scid  }
0x6: {  	s12 =	simm.s32 $0x1;
	s13 =	simm.s32 $0x2;
	s14 =	simm.s32 $0x4100  }
0x7: {  	s15 =	simm.s32 $0x0;
	[smem:$0x7FF] =	sst s3;
	s7 =	sand.u32 $0x1, s4  }
0x8: {  	s28 =	sshll.u32 s1, $0x1;
	s8 =	sshll.u32 s1, $0xC;
	s30 =	sshll.u32 s1, $0x6  }
0x9: {  	_ =	strace $0x8000004A;
	s4 =	sor.u32 s7, s28;
	s9 =	ssub.s32 $0x2, s7  }
0xa: {  	s8 =	sadd.s32 s8, s5;
	s11 =	sshll.u32 s7, $0xB;
	s7 =	sshll.u32 s7, $0x5  }
.Ltmp0:
0xb: {  	s10 =	sshll.u32 s4, $0x5;
	s29 =	sshrl.u32 s9, $0x1;
	(pc) =	sbr.rel .LBB2_1-.Ltmp0, $4  }
0xc: {  	s8 =	sadd.s32 s11, s8;
	s11 =	simm.s32 $0x100;
	s10 =	sadd.s32 s10, s6  }
0xd: {  	s9 =	ssub.s32 s9, s29;
	s5 =	sadd.s32 $0x4E20, s10;
	s10 =	sadd.s32 s30, s6  }
0xe: {  	s6 =	smax.u32 s9, $0x1;
	s9 =	simm.s32 $0x3;
	s31 =	sadd.s32 s7, s10  }
0xf: {  	s7 =	sadd.s32 $0x13C600, s8;
	s10 =	simm.s32 $0x80;
	s8 =	sadd.s32 $0x5220, s31  }
.LBB2_9:
0x10: {  	s15 =	sadd.s32 $0x1, s15  }
0x11: {  	p0 =	sne.s32 s15, s6  }
.Ltmp1:
0x12: {  	_ = 	snop;
	(pc) =	sbr.rel @!p0 .LBB2_10-.Ltmp1, $1  }
0x13: {  	_ =	sdelay $0x3  }
.LBB2_1:
0x14: {  	[tilespmem:s3], [sflag:$0x3] =	stream.linear.gather [hbm4b:s5+s3], $0x80, $0x38;
	[tilespmem:$0x8100] =	vst v63  }
.Ltmp2:
0x15: {  	_ = 	snop;
	(pc) =	sbr.rel .LBB2_2-.Ltmp2, $4  }
0x16: {  	_ =	swait.ge [sflag:s9], $0x80  }
0x17: {  	s16 =	smov.u32 s8;
	s18 =	smov.u32 s4;
	[sflag:s9] =	ssyncset.done $0x0  }
0x18: {  	s17 =	smov.u32 s7;
	s19 =	simm.s32 $0x0;
	[sflag:s9] =	ssyncadd.s32 $0xFFFFFF80  }
0x19: {  	[tilespmem:s11], [sflag:$0x1] =	stream.indirect.gather [hbm4b:s2+s10], $0x80, s3, s10, $0xb8;
	[tilespmem:$0x8100] =	vst v63  }
.LBB2_7:
0x1a: {  	_ =	swait.ge [sflag:s20], $0x4000  }
0x1b: {  	[sflag:s20] =	ssyncset.done $0x0  }
0x1c: {  	[sflag:s20] =	ssyncadd.s32 $0xFFFFC000  }
.LBB2_8:
0x1d: {  	s19 =	sadd.s32 $0x1, s19  }
0x1e: {  	p0 =	sne.s32 s19, $0x14  }
.Ltmp3:
0x1f: {  	_ = 	snop;
	(pc) =	sbr.rel @!p0 .LBB2_9-.Ltmp3, $2  }
0x20: {  	_ =	sdelay $0x2  }
0x21: {  	s17 =	sadd.s32 $0x10000, s17;
	s16 =	sadd.s32 $0x400, s16  }
.LBB2_2:
0x22: {  	s21 =	sand.u32 $0x1, s19  }
0x23: {  	p0 =	seq.s32 s21, $0x1  }
.Ltmp4:
0x24: {  	_ = 	snop;
	(pc) =	sbr.rel @p0 .LBB2_5-.Ltmp4, $2  }
0x25: {  	_ =	sdelay $0x2  }
0x26: {  	s20 =	smov.u32 s18;
	s18 =	sadd.s32 $0x20, s18  }
0x27: {  	s21 =	sadd.s32 $0x20, s20  }
0x28: {  	p0 =	sgt.u32 s21, $0x270  }
0x29: {  	s21 =	simm.s32 @!p0 $0x0;
	s22 =	simm.s32 @!p0 $0x80  }
0x2a: {  	[tilespmem:s22], [sflag:$0x4] =	stream.linear.gather @!p0 [hbm4b:s16+s21], $0x80, $0x38;
	[tilespmem:$0x8100] =	vst v63  }
0x2b: {  	s21 =	simm.s32 @!p0 $0x4  }
0x2c: {  	_ =	swait.ge @!p0 [sflag:s21], $0x80  }
0x2d: {  	[sflag:s21] =	ssyncset.done @!p0 $0x0  }
0x2e: {  	[sflag:s21] =	ssyncadd.s32 @!p0 $0xFFFFFF80;
	s21 =	simm.s32 @!p0 $0x4100  }
0x2f: {  	[tilespmem:s21], [sflag:$0x2] =	stream.indirect.gather @!p0 [hbm4b:s2+s22], $0x80, s22, s22, $0xb8;
	[tilespmem:$0x8100] =	vst v63  }
0x30: {  	p0 =	sgt.u32 s20, $0x270  }
.Ltmp5:
0x31: {  	_ = 	snop;
	(pc) =	sbr.rel @p0 .LBB2_8-.Ltmp5, $1  }
0x32: {  	_ =	sdelay $0x3  }
.Ltmp6:
0x33: {  	(pc) =	sbr.rel .LBB2_7-.Ltmp6, $4  }
0x34: {  	_ =	swait.ge [sflag:s12], $0x4000  }
0x35: {  	[sflag:s12] =	ssyncset.done $0x0  }
0x36: {  	s20 =	simm.s32 $0x4;
	[sflag:s12] =	ssyncadd.s32 $0xFFFFC000  }
0x37: {  	[hbm4b:s17+s3] =	stream.linear.scatter [tilespmem:s11], [sflag:$0x4], $0x4000, $0x38;
	[tilespmem:$0x8100] =	vst v63  }
.LBB2_5:
0x38: {  	p0 =	sgt.u32 s18, $0x270  }
0x39: {  	s21 =	simm.s32 @!p0 $0x0;
	s22 =	simm.s32 @!p0 $0x4  }
0x3a: {  	[tilespmem:s21], [sflag:$0x4] =	stream.linear.gather @!p0 [hbm4b:s16+s21], $0x80, $0x38;
	[tilespmem:$0x8100] =	vst v63  }
0x3b: {  	_ =	swait.ge @!p0 [sflag:s22], $0x80  }
0x3c: {  	[sflag:s22] =	ssyncset.done @!p0 $0x0  }
0x3d: {  	s23 =	simm.s32 @!p0 $0x100;
	[sflag:s22] =	ssyncadd.s32 @!p0 $0xFFFFFF80;
	s22 =	simm.s32 @!p0 $0x80  }
0x3e: {  	[tilespmem:s23], [sflag:$0x1] =	stream.indirect.gather @!p0 [hbm4b:s2+s22], $0x80, s21, s22, $0xb8;
	[tilespmem:$0x8100] =	vst v63  }
0x3f: {  	p0 =	sgt.u32 s20, $0x270  }
.Ltmp7:
0x40: {  	_ = 	snop;
	(pc) =	sbr.rel @p0 .LBB2_8-.Ltmp7, $1  }
0x41: {  	_ =	sdelay $0x3  }
.Ltmp8:
0x42: {  	(pc) =	sbr.rel .LBB2_7-.Ltmp8, $4  }
0x43: {  	_ =	swait.ge [sflag:s13], $0x4000  }
0x44: {  	[sflag:s13] =	ssyncset.done $0x0  }
0x45: {  	s20 =	simm.s32 $0x3;
	[sflag:s13] =	ssyncadd.s32 $0xFFFFC000  }
0x46: {  	[hbm4b:s17+s3] =	stream.linear.scatter [tilespmem:s14], [sflag:$0x3], $0x4000, $0x38;
	[tilespmem:$0x8100] =	vst v63  }
.LBB2_10:
0x47: {  	_ =	sfence.sel $0x180000  }
0x48: {  	[bflag:$0x0] =	sbarrier.arrive $0xFFFF  }
0x49: {  	p0 =	sne.s32 s1, $0x0;
	_ =	strace $0x9000004A  }
0x4a: {  	s0 =	sadd.s32 @!p0 $0x100000, s0;
	[bflag:$0x2] =	sbarrier.arrive $0xFFFF  }
0x4b: {  	[sflag:s0] =	ssyncadd.tile.s32 @!p0 $0x1;
	_ =	shalt  }
.Lfunc_end2:
_tile_overlayer_lowered:
.L_overlay_start_2:
0x4c: {  	(tag) =	ssettag $0x2  }
0x4d: {  	s0 =	rddreg [dreg:$0x0];
	s2 =	stileid.u32  }
0x4e: {  	s1 =	rddreg [dreg:$0x1];
	p0 =	sne.s32 s2, $0x0  }
0x4f: {  	s3 =	rddreg [dreg:$0x2];
	[bflag:$0x3] =	sbarrier.arrive $0xFFFF;
	s2 =	simm.s32 @!p0 $0x1C03  }
0x50: {  	[timem:s3], [sflag:s2] =	dma.local @!p0 [hbm:s0], s1  }
0x51: {  	s0 =	simm.s32 @!p0 $0x3  }
0x52: {  	_ =	swait.ge @!p0 [sflag:s0], s1  }
0x53: {  	s1 =	ssub.s32 @!p0 $0x0, s1;
	[sflag:s0] =	ssyncset.done @!p0 $0x0  }
0x54: {  	[sflag:s0] =	ssyncadd.s32 @!p0 s1  }
0x55: {  	[bflag:$0x3] =	sbarrier.arrive $0xFFFF  }
0x56: {  	_ =	shalt  }

// kernel: kernel.15.cloned.1.call-start
scs
__scs_entry_jumppad:
0x0: {  	(pc) =	sbr.rel $0x88, $3  }
0x1: {  	(tag) =	ssettag $0x0;
	lr =	simm.s32 $0x1  }
0x2: {  	[smem:$0x3F92] =	sst lr;
	_ =	strace $0xD0000000  }
0x3: {  	_ = 	snop  }
0x4: {  	_ = 	snop  }
0x5: {  	_ = 	snop  }
0x6: {  	_ = 	snop  }
0x7: {  	_ = 	snop  }
__scs_overlays_trampoline_lowered:
0x8: {  	[smem:$0x3FA1] =	sst s0  }
0x9: {  	[smem:$0x3FA2] =	sst s1  }
0xa: {  	[smem:$0x3FA3] =	sst s2  }
0xb: {  	[smem:$0x3FA4] =	sst s3  }
0xc: {  	[smem:$0x3FA5] =	sst s4  }
0xd: {  	[smem:$0x3FA6] =	sst s5  }
0xe: {  	[smem:$0x3FA7] =	sst s6  }
0xf: {  	[smem:$0x3FA8] =	sst s7  }
0x10: {  	[smem:$0x3FA9] =	sst s8  }
0x11: {  	[smem:$0x3FAA] =	sst s9;
	s0 =	simm.s32 @!p0 $0x0  }
0x12: {  	s1 =	sld [smem:$0x3F90];
	s0 =	simm.s32 @p0 $0x1  }
0x13: {  	[smem:$0x3FAB] =	sst s0;
	s0 =	simm.s32 @!p1 $0x0  }
0x14: {  	s2 =	sld [smem:$0x3F8F];
	s0 =	simm.s32 @p1 $0x1  }
0x15: {  	[smem:$0x3FAC] =	sst s0;
	s0 =	simm.s32 @!p2 $0x0  }
0x16: {  	s3 =	sld [smem:$0x3FDB];
	s0 =	simm.s32 @p2 $0x1  }
0x17: {  	s4 =	simm.s32 $0x1BF5;
	[smem:$0x3FAE] =	sst s0  }
0x18: {  	s0 =	sld [smem:$0x3F91];
	_ =	swait.ge [sflag:s4], $0x0  }
0x19: {  	s7 =	sld [smem:$0x3F92]  }
0x1a: {  	s8 =	sadd.s32 $0xFFFFE003, lr  }
0x1b: {  	s9 =	sadd.s32 $0xFFFFFEF7, lr;
	s5 =	simm.s32 $0xFFFFFFFF;
	p2 =	slt.u32 s8, $0xFFFFF086  }
0x1c: {  	p1 =	slt.u32 s9, $0xF7A;
	s5 =	simm.s32 @!p2 $0x0  }
0x1d: {  	s5 =	simm.s32 @p1 $0x1;
	p0 =	seq.s32 s7, s2  }
0x1e: {  	s7 =	smul.u32 @!p0 $0xF7A, s2;
	p2 =	seq.s32 @!p0 s5, $0x0  }
0x1f: {  	s9 =	smul.u32 $0xF7A, s1;
	s8 =	simm.s32 @!p0 $0x1BF5;
	p2 =	por !p2, p0  }
0x20: {  	[sflag:s8] =	ssyncset.s32 @!p0 $0xFFFFF086;
	s6 =	sadd.s32 @!p0 s3, s7;
	s7 =	simm.s32 @!p0 $0x108  }
0x21: {  	s3 =	sadd.s32 s3, s9;
	s6 =	sadd.s32 @!p0 $0x88, s6;
	s7 =	simm.s32 @p2 $0x1082  }
0x22: {  	[simem:s7], [sflag:s8] =	dma.local @!p0 [hbm:s6], $0xF7A  }
0x23: {  	s9 =	sor.u32 $0xD0000000, s2;
	s6 =	simm.s32 $0x108;
	_ =	swait.ge @!p0 [sflag:s8], $0x0  }
0x24: {  	s3 =	sadd.s32 $0x88, s3;
	s6 =	simm.s32 @!p1 $0x1082;
	[sflag:s4] =	ssyncset.s32 $0xFFFFF086  }
0x25: {  	[simem:s6], [sflag:s4] =	dma.local [hbm:s3], $0xF7A  }
0x26: {  	[smem:$0x3F92] =	sst s1;
	(tag) =	ssettag s2;
	_ =	strace s9  }
0x27: {  	s1 =	sld [smem:$0x3FA2]  }
0x28: {  	s2 =	sld [smem:$0x3FA3]  }
0x29: {  	s4 =	sld [smem:$0x3FA5]  }
0x2a: {  	p0 =	seq.s32 s5, $0x0;
	s5 =	sld [smem:$0x3FA6]  }
0x2b: {  	s6 =	sld [smem:$0x3FA7]  }
0x2c: {  	s7 =	sld [smem:$0x3FA8]  }
0x2d: {  	s3 =	simm.s32 $0x108;
	s8 =	sld [smem:$0x3FA9]  }
0x2e: {  	s3 =	simm.s32 @!p0 $0x1082;
	s9 =	sld [smem:$0x3FAA]  }
0x2f: {  	lr =	sadd.s32 s0, s3;
	s0 =	sld [smem:$0x3FA1]  }
0x30: {  	s3 =	sld [smem:$0x3FA4]  }
0x31: {  	[smem:$0x3FAD] =	sst s10  }
0x32: {  	s10 =	sld [smem:$0x3FAB];
	_ =	sdelay $0x3  }
0x33: {  	p0 =	seq.s32 s10, $0x1;
	s10 =	sld [smem:$0x3FAD];
	_ =	sdelay $0x3  }
0x34: {  	[smem:$0x3FAD] =	sst s10  }
0x35: {  	s10 =	sld [smem:$0x3FAC];
	_ =	sdelay $0x3  }
0x36: {  	p1 =	seq.s32 s10, $0x1;
	s10 =	sld [smem:$0x3FAD];
	_ =	sdelay $0x3  }
0x37: {  	[smem:$0x3FAD] =	sst s10  }
0x38: {  	s10 =	sld [smem:$0x3FAE]  }
0x39: {  	_ = 	snop;
	(pc) =	sbr.ind lr, $3  }
0x3a: {  	_ = 	snop  }
0x3b: {  	_ = 	snop  }
0x3c: {  	p2 =	seq.s32 s10, $0x1;
	s10 =	sld [smem:$0x3FAD]  }
0x3d: {  	_ =	shalt  }
0x3e: {  	_ =	shalt  }
0x3f: {  	_ =	shalt  }
0x40: {  	_ =	shalt  }
0x41: {  	_ =	shalt  }
0x42: {  	_ =	shalt  }
0x43: {  	_ =	shalt  }
0x44: {  	_ =	shalt  }
0x45: {  	_ =	shalt  }
0x46: {  	_ =	shalt  }
0x47: {  	_ =	shalt  }
0x48: {  	_ =	shalt  }
0x49: {  	_ =	shalt  }
0x4a: {  	_ =	shalt  }
0x4b: {  	_ =	shalt  }
0x4c: {  	_ =	shalt  }
0x4d: {  	_ =	shalt  }
0x4e: {  	_ =	shalt  }
0x4f: {  	_ =	shalt  }
0x50: {  	_ =	shalt  }
0x51: {  	_ =	shalt  }
0x52: {  	_ =	shalt  }
0x53: {  	_ =	shalt  }
0x54: {  	_ =	shalt  }
0x55: {  	_ =	shalt  }
0x56: {  	_ =	shalt  }
0x57: {  	_ =	shalt  }
0x58: {  	_ =	shalt  }
0x59: {  	_ =	shalt  }
0x5a: {  	_ =	shalt  }
0x5b: {  	_ =	shalt  }
0x5c: {  	_ =	shalt  }
0x5d: {  	_ =	shalt  }
0x5e: {  	_ =	shalt  }
0x5f: {  	_ =	shalt  }
0x60: {  	_ =	shalt  }
0x61: {  	_ =	shalt  }
0x62: {  	_ =	shalt  }
0x63: {  	_ =	shalt  }
0x64: {  	_ =	shalt  }
0x65: {  	_ =	shalt  }
0x66: {  	_ =	shalt  }
0x67: {  	_ =	shalt  }
0x68: {  	_ =	shalt  }
0x69: {  	_ =	shalt  }
0x6a: {  	_ =	shalt  }
0x6b: {  	_ =	shalt  }
0x6c: {  	_ =	shalt  }
0x6d: {  	_ =	shalt  }
0x6e: {  	_ =	shalt  }
0x6f: {  	_ =	shalt  }
0x70: {  	_ =	shalt  }
0x71: {  	_ =	shalt  }
0x72: {  	_ =	shalt  }
0x73: {  	_ =	shalt  }
0x74: {  	_ =	shalt  }
0x75: {  	_ =	shalt  }
0x76: {  	_ =	shalt  }
0x77: {  	_ =	shalt  }
0x78: {  	_ =	shalt  }
0x79: {  	_ =	shalt  }
0x7a: {  	_ =	shalt  }
0x7b: {  	_ =	shalt  }
0x7c: {  	_ =	shalt  }
0x7d: {  	_ =	shalt  }
0x7e: {  	_ =	shalt  }
0x7f: {  	_ =	shalt  }
0x80: {  	_ =	shalt  }
0x81: {  	_ =	shalt  }
0x82: {  	_ =	shalt  }
0x83: {  	_ =	shalt  }
0x84: {  	_ =	shalt  }
0x85: {  	_ =	shalt  }
0x86: {  	_ =	shalt  }
0x87: {  	_ =	shalt  }
.Lfunc_end0:
.L_simem_size_0:
called_computation.2_lowered:
.L_overlay_start_0:
0x88: {  	s2 =	sld [smem:$0x3FD9]  }
0x89: {  	s3 =	sld [smem:$0x3FFE];
	_ =	sdelay $0x1  }
0x8a: {  	s1 =	srdreg.scid  }
0x8b: {  	s0 =	sand.u32 $0x1, s1  }
0x8c: {  	s17 =	sshll.u32 s0, $0xA;
	s2 =	sadd.s32 s3, s2  }
0x8d: {  	s2 =	sadd.s32 s2, s17  }
0x8e: {  	[smem:$0x3FB9] =	sst s2  }
0x8f: {  	_ = 	snop  }
0x90: {  	s18 =	sld [smem:$0x3FC8];
	(tm) =	ssettm $0x1  }
0x91: {  	s19 =	sld [smem:$0x3FFB];
	_ =	sdelay $0x3  }
0x92: {  	_ =	strace s19  }
0x93: {  	s2 =	sld [smem:$0x3FFC];
	_ =	sdelay $0x3  }
0x94: {  	_ =	strace s2  }
0x95: {  	s2 =	sld [smem:$0x3FFD];
	_ =	sdelay $0x3  }
0x96: {  	_ =	strace s2  }
0x97: {  	_ =	strace $0x8FFFFFFF  }
0x98: {  	s20 =	sld [smem:$0x3FDB];
	_ =	sdelay $0x1  }
0x99: {  	s4 =	simm.s32 $_scs_section_size  }
0x9a: {  	s5 =	simm.s32 $_size__tile_overlayer_lowered;
	s6 =	simm.s32 $_tile_overlayer_lowered  }
0x9b: {  	s7 =	simm.s32 $0x1BFF;
	s21 =	sshll.u32 s6, $0x1;
	s4 =	sadd.s32 s4, s20  }
0x9c: {  	s22 =	simm.s32 $0x0;
	s5 =	sshll.u32 s5, $0x1;
	s6 =	sadd.s32 s21, s4  }
0x9d: {  	[timem:s22], [sflag:s7] =	dma.local [hbm:s6], s5  }
0x9e: {  	_ =	swait.ge [sflag:s7], s5  }
0x9f: {  	s5 =	ssub.s32 $0x0, s5;
	[sflag:s7] =	ssyncset.done $0x0  }
0xa0: {  	[sflag:s7] =	ssyncadd.s32 s5;
	_ =	sdelay $0x1  }
0xa1: {  	s23 =	simm.s32 $0x1B8B  }
0xa2: {  	_ =	swait.ge [sflag:s23], $0x1  }
0xa3: {  	[sflag:s23] =	ssyncset.done $0x0  }
0xa4: {  	[sflag:s23] =	ssyncadd.s32 $0xFFFFFFFF  }
0xa5: {  	s5 =	sld [smem:$0x0]  }
0xa6: {  	s6 =	sand.u32 $0xFFFFFFFE, s1  }
0xa7: {  	p0 =	sne.s32 s1, s6  }
0xa8: {  	s6 =	sshll.u32 @p0 s6, $0xE  }
0xa9: {  	s6 =	sadd.s32 @p0 $0x11B8D, s6;
	s7 =	sshll.u32 @p0 s5, $0x11  }
0xaa: {  	s6 =	sor.u32 @p0 s7, s6  }
0xab: {  	[sflag:s6] =	ssyncadd.remote.s32 @p0 $0x1;
	_ =	sdelay $0x1  }
0xac: {  	s6 =	simm.s32 @p0 $0x1B8D  }
0xad: {  	_ =	swait.eq @p0 [sflag:s6], $0x1  }
0xae: {  	[sflag:s6] =	ssyncadd.s32 @p0 $0xFFFFFFFF  }
0xaf: {  	s7 =	sshll.u32 @!p0 s1, $0xE  }
0xb0: {  	s7 =	sor.u32 @!p0 $0x4000, s7;
	s6 =	simm.s32 @!p0 $0x1B8D  }
0xb1: {  	s5 =	sshll.u32 @!p0 s5, $0x11;
	s7 =	sadd.s32 @!p0 $0x11B8D, s7;
	_ =	swait.eq @!p0 [sflag:s6], $0x1  }
0xb2: {  	s5 =	sor.u32 @!p0 s5, s7;
	[sflag:s6] =	ssyncadd.s32 @!p0 $0xFFFFFFFF  }
0xb3: {  	s25 =	simm.s32 $0x1B8E;
	s24 =	sld [smem:$0x3FFE];
	[sflag:s5] =	ssyncadd.remote.s32 @!p0 $0x1  }
0xb4: {  	s26 =	simm.s32 $execute0_lowered;
	[smem:$0x3FD2] =	sst s25  }
0xb5: {  	s6 =	sshll.u32 s26, $0x1;
	_ =	strace $0x8000004C;
	[dreg:$0x1] =	wrdreg $0xFFFFFFFF  }
0xb6: {  	s28 =	simm.s32 $_size_execute0_lowered;
	s4 =	sadd.s32 s4, s6;
	[dreg:$0x0] =	wrdreg $0x0  }
0xb7: {  	s6 =	sshll.u32 s28, $0x1;
	[dreg:$0x2] =	wrdreg s4  }
0xb8: {  	[dreg:$0x3] =	wrdreg s6  }
0xb9: {  	[dreg:$0x4] =	wrdreg $0xC0  }
0xba: {  	_ =	task [dreg:s22], $0x5FFFF  }
0xbb: {  	[dreg:$0x1] =	wrdreg $0xFFFFFFFF  }
0xbc: {  	[dreg:$0x0] =	wrdreg $0x60  }
0xbd: {  	[dreg:$0x2] =	wrdreg s18  }
0xbe: {  	[dreg:$0x3] =	wrdreg s24  }
0xbf: {  	[dreg:$0x4] =	wrdreg $0x81000  }
0xc0: {  	[dreg:$0x5] =	wrdreg $0xA  }
0xc1: {  	_ =	task.clear_ibuf [dreg:s22], $0x6FFFF;
	_ =	strace $0x9000004C  }
0xc2: {  	s29 =	simm.s32 $0xA;
	_ =	strace $0x8000004E  }
0xc3: {  	_ =	swait.ge [sflag:s29], $0x1  }
0xc4: {  	[sflag:s29] =	ssyncadd.s32 $0xFFFFFFFF  }
0xc5: {  	_ =	strace $0x9000004E  }
0xc6: {  	_ =	sfence  }
0xc7: {  	s30 =	sld [smem:$0x0];
	_ =	sdelay $0x2  }
0xc8: {  	s31 =	sshll.u32 s1, $0xD;
	s1 =	sshrl.u32 s1, $0x2  }
0xc9: {  	s4 =	sand.u32 $0x4000, s31;
	s1 =	sadd.s32 s1, s30  }
0xca: {  	s0 =	sor.u32 s4, s0;
	s1 =	sshll.u32 s1, $0x11  }
0xcb: {  	s0 =	sor.u32 s1, s0  }
0xcc: {  	s0 =	sadd.s32 $0x8F2B, s0  }
0xcd: {  	[sflag:s0] =	ssyncadd.remote.s32 $0x1  }
0xce: {  	_ =	sfence.sel $0xFFFF  }
0xcf: {  	[dreg:$0x0] =	wrdreg $0xFFFFFFFF;
	(pc) =	sbr.abs _section_cstart, $3  }
0xd0: {  	[dreg:$0x1] =	wrdreg $0xFFFFFFFF  }
0xd1: {  	_ =	task.clear_ibuf [dreg:s22], $0x2FFFF;
	_ =	strace $0x9FFFFFFF  }
0xd2: {  	(tm) =	ssettm $0x7FFFFFFF  }
0xd3: {  	_ =	shalt  }
tec
execute0_lowered:
.L_overlay_start_1:
0x0: {  	(tag) =	ssettag $0x1  }
0x1: {  	s10 =	rddreg [dreg:$0x0]  }
0x2: {  	s4 =	rddreg [dreg:$0x1]  }
0x3: {  	s1 =	rddreg [dreg:$0x2]  }
0x4: {  	s0 =	rddreg [dreg:$0x3];
	s2 =	simm.s32 $0x0  }
0x5: {  	s3 =	srdreg.scid;
	s12 =	stileid.u32;
	s16 =	simm.s32 $0x80  }
0x6: {  	s17 =	simm.s32 $0x2;
	s18 =	simm.s32 $0x4100;
	s19 =	simm.s32 $0x0  }
0x7: {  	[smem:$0x7FF] =	sst s2;
	s11 =	sand.u32 $0x1, s3;
	s28 =	sshll.u32 s12, $0x1  }
0x8: {  	s13 =	sadd.s32 $0x3AD600, s4;
	s14 =	sshll.u32 s12, $0x6;
	s15 =	sshll.u32 s12, $0xC  }
0x9: {  	p0 =	sne.s32 s12, $0x0;
	_ =	strace $0x8000004D;
	s5 =	smul.u32 $0x27100, s11  }
0xa: {  	s6 =	ssub.s32 $0x2, s11;
	s3 =	sor.u32 s11, s28;
	s31 =	sshll.u32 s11, $0x5  }
0xb: {  	s11 =	sshll.u32 s11, $0xB;
	s12 =	sshrl.u32 @!p0 s1, $0x3;
	s7 =	sshrl.u32 s6, $0x1  }
0xc: {  	s29 =	sshll.u32 s3, $0x5;
	s30 =	sshll.u32 s3, $0xB;
	s8 =	sadd.s32 s5, s4  }
0xd: {  	s9 =	ssub.s32 s6, s7;
	s5 =	sadd.s32 s29, s10;
	s6 =	sadd.s32 s13, s30  }
.Ltmp0:
0xe: {  	s7 =	ssub.s32 $0x271, s3;
	s10 =	sadd.s32 s14, s10;
	(pc) =	sbr.rel .LBB2_1-.Ltmp0, $4  }
0xf: {  	s13 =	sadd.s32 s15, s13;
	s14 =	simm.s32 $0x100;
	s15 =	simm.s32 $0x1  }
0x10: {  	s4 =	sadd.s32 $0x3E00, s8;
	s5 =	sadd.s32 $0x10, s5;
	s8 =	sadd.s32 $0x52000, s8  }
0x11: {  	s9 =	smax.u32 s9, $0x1;
	s10 =	sadd.s32 s31, s10;
	s11 =	sadd.s32 s11, s13  }
0x12: {  	s13 =	simm.s32 $0x3;
	s10 =	sadd.s32 $0x410, s10;
	s11 =	sadd.s32 $0x10000, s11  }
.LBB2_9:
0x13: {  	[bflag:$0x0] =	sbarrier.arrive $0xFFFF;
	s20 =	simm.s32 @!p0 $0x1C03;
	s19 =	sadd.s32 $0x1, s19  }
0x14: {  	[hbm:s8], [sflag:s20] =	dma.local @!p0 [spmem:s12], $0x27100  }
0x15: {  	p1 =	sne.s32 s19, s9  }
.Ltmp1:
0x16: {  	_ = 	snop;
	(pc) =	sbr.rel @!p1 .LBB2_10-.Ltmp1, $4  }
0x17: {  	s20 =	simm.s32 @!p0 $0x3  }
0x18: {  	_ =	swait.ge @!p0 [sflag:s20], $0x27100  }
0x19: {  	[sflag:s20] =	ssyncset.done @!p0 $0x0  }
0x1a: {  	[sflag:s20] =	ssyncadd.s32 @!p0 $0xFFFD8F00  }
.LBB2_1:
0x1b: {  	s20 =	simm.s32 @!p0 $0x1C03  }
0x1c: {  	[spmem:s12], [sflag:s20] =	dma.local @!p0 [hbm:s4], $0x27100  }
0x1d: {  	s20 =	simm.s32 @!p0 $0x3  }
0x1e: {  	_ =	swait.ge @!p0 [sflag:s20], $0x27100  }
0x1f: {  	[sflag:s20] =	ssyncset.done @!p0 $0x0  }
0x20: {  	[sflag:s20] =	ssyncadd.s32 @!p0 $0xFFFD8F00  }
0x21: {  	[bflag:$0x0] =	sbarrier.arrive $0xFFFF  }
0x22: {  	[tilespmem:s2], [sflag:$0x3] =	stream.linear.gather [hbm4b:s5+s2], $0x80, $0x38;
	[tilespmem:$0x1B980] =	vst v63  }
.Ltmp2:
0x23: {  	_ = 	snop;
	(pc) =	sbr.rel .LBB2_2-.Ltmp2, $4  }
0x24: {  	_ =	swait.ge [sflag:s13], $0x80  }
0x25: {  	s21 =	smov.u32 s11;
	s22 =	smov.u32 s10;
	[sflag:s13] =	ssyncset.done $0x0  }
0x26: {  	s23 =	simm.s32 $0x0;
	s20 =	simm.s32 $0x0;
	[sflag:s13] =	ssyncadd.s32 $0xFFFFFF80  }
0x27: {  	[tilespmem:s14], [sflag:$0x1] =	stream.linear.gather [hbm4b:s6+s2], $0x4000, $0x38;
	[tilespmem:$0x1B980] =	vst v63  }
.LBB2_7:
0x28: {  	_ =	swait.ge [sflag:s24], $0x4000  }
0x29: {  	[sflag:s24] =	ssyncset.done $0x0  }
0x2a: {  	[sflag:s24] =	ssyncadd.s32 $0xFFFFC000  }
.LBB2_8:
0x2b: {  	s23 =	sadd.s32 $0x1, s23  }
0x2c: {  	p1 =	sne.s32 s23, $0x14  }
.Ltmp3:
0x2d: {  	_ = 	snop;
	(pc) =	sbr.rel @!p1 .LBB2_9-.Ltmp3, $2  }
0x2e: {  	_ =	sdelay $0x2  }
0x2f: {  	s22 =	sadd.s32 $0x400, s22;
	s21 =	sadd.s32 $0x10000, s21;
	s20 =	sadd.s32 $0x20, s20  }
.LBB2_2:
0x30: {  	s24 =	sand.u32 $0x1, s23  }
0x31: {  	p1 =	seq.s32 s24, $0x1  }
.Ltmp4:
0x32: {  	_ = 	snop;
	(pc) =	sbr.rel @p1 .LBB2_5-.Ltmp4, $3  }
0x33: {  	_ =	sdelay $0x1  }
0x34: {  	s24 =	sadd.s32 s20, s3  }
0x35: {  	s25 =	sadd.s32 $0x20, s24  }
0x36: {  	p1 =	sgt.u32 s25, $0x270  }
0x37: {  	s25 =	simm.s32 @!p1 $0x0;
	s26 =	simm.s32 @!p1 $0x80  }
0x38: {  	[tilespmem:s26], [sflag:$0x4] =	stream.linear.gather @!p1 [hbm4b:s22+s25], $0x80, $0x38;
	[tilespmem:$0x1B980] =	vst v63  }
0x39: {  	s26 =	simm.s32 @!p1 $0x4  }
0x3a: {  	_ =	swait.ge @!p1 [sflag:s26], $0x80  }
0x3b: {  	[sflag:s26] =	ssyncset.done @!p1 $0x0  }
0x3c: {  	[sflag:s26] =	ssyncadd.s32 @!p1 $0xFFFFFF80;
	s26 =	simm.s32 @!p1 $0x4100  }
0x3d: {  	[tilespmem:s26], [sflag:$0x2] =	stream.linear.gather @!p1 [hbm4b:s21+s25], $0x4000, $0x38;
	[tilespmem:$0x1B980] =	vst v63  }
0x3e: {  	p1 =	sgt.u32 s24, $0x270  }
.Ltmp5:
0x3f: {  	_ = 	snop;
	(pc) =	sbr.rel @p1 .LBB2_8-.Ltmp5, $1  }
0x40: {  	_ =	sdelay $0x3  }
.Ltmp6:
0x41: {  	(pc) =	sbr.rel .LBB2_7-.Ltmp6, $4  }
0x42: {  	_ =	swait.ge [sflag:s15], $0x4000  }
0x43: {  	[sflag:s15] =	ssyncset.done $0x0  }
0x44: {  	s24 =	simm.s32 $0x4;
	[sflag:s15] =	ssyncadd.s32 $0xFFFFC000  }
0x45: {  	[spmem:s1] =	stream.indirect.scatter.add.f32 [tilespmem:s14], [sflag:$0x4], $0x80, s2, s16, $0xb8;
	[tilespmem:$0x1B980] =	vst v63  }
.LBB2_5:
0x46: {  	p1 =	sgt.u32 s25, $0x270  }
0x47: {  	s24 =	simm.s32 @!p1 $0x0;
	s25 =	simm.s32 @!p1 $0x4  }
0x48: {  	[tilespmem:s24], [sflag:$0x4] =	stream.linear.gather @!p1 [hbm4b:s22+s24], $0x80, $0x38;
	[tilespmem:$0x1B980] =	vst v63  }
0x49: {  	_ =	swait.ge @!p1 [sflag:s25], $0x80  }
0x4a: {  	[sflag:s25] =	ssyncset.done @!p1 $0x0  }
0x4b: {  	[sflag:s25] =	ssyncadd.s32 @!p1 $0xFFFFFF80;
	s25 =	simm.s32 @!p1 $0x100  }
0x4c: {  	[tilespmem:s25], [sflag:$0x1] =	stream.linear.gather @!p1 [hbm4b:s21+s24], $0x4000, $0x38;
	[tilespmem:$0x1B980] =	vst v63  }
0x4d: {  	p1 =	sge.u32 s20, s7  }
.Ltmp7:
0x4e: {  	_ = 	snop;
	(pc) =	sbr.rel @p1 .LBB2_8-.Ltmp7, $1  }
0x4f: {  	_ =	sdelay $0x3  }
.Ltmp8:
0x50: {  	(pc) =	sbr.rel .LBB2_7-.Ltmp8, $4  }
0x51: {  	_ =	swait.ge [sflag:s17], $0x4000  }
0x52: {  	[sflag:s17] =	ssyncset.done $0x0  }
0x53: {  	s24 =	simm.s32 $0x3;
	[sflag:s17] =	ssyncadd.s32 $0xFFFFC000  }
0x54: {  	[spmem:s1] =	stream.indirect.scatter.add.f32 [tilespmem:s18], [sflag:$0x3], $0x80, s16, s16, $0xb8;
	[tilespmem:$0x1B980] =	vst v63  }
.LBB2_10:
0x55: {  	_ =	sfence.sel $0x180000  }
0x56: {  	[bflag:$0x0] =	sbarrier.arrive $0xFFFF  }
0x57: {  	_ =	strace $0x9000004D  }
0x58: {  	s0 =	sadd.s32 @!p0 $0x100000, s0;
	[bflag:$0x2] =	sbarrier.arrive $0xFFFF  }
0x59: {  	[sflag:s0] =	ssyncadd.tile.s32 @!p0 $0x1;
	_ =	shalt  }
.Lfunc_end2:
_tile_overlayer_lowered:
.L_overlay_start_2:
0x5a: {  	(tag) =	ssettag $0x2  }
0x5b: {  	s0 =	rddreg [dreg:$0x0];
	s2 =	stileid.u32  }
0x5c: {  	s1 =	rddreg [dreg:$0x1];
	p0 =	sne.s32 s2, $0x0  }
0x5d: {  	s3 =	rddreg [dreg:$0x2];
	[bflag:$0x3] =	sbarrier.arrive $0xFFFF;
	s2 =	simm.s32 @!p0 $0x1C03  }
0x5e: {  	[timem:s3], [sflag:s2] =	dma.local @!p0 [hbm:s0], s1  }
0x5f: {  	s0 =	simm.s32 @!p0 $0x3  }
0x60: {  	_ =	swait.ge @!p0 [sflag:s0], s1  }
0x61: {  	s1 =	ssub.s32 @!p0 $0x0, s1;
	[sflag:s0] =	ssyncset.done @!p0 $0x0  }
0x62: {  	[sflag:s0] =	ssyncadd.s32 @!p0 s1  }
0x63: {  	[bflag:$0x3] =	sbarrier.arrive $0xFFFF  }
0x64: {  	_ =	shalt  }

// kernel: kernel.18.cloned.1.call-start
scs
__scs_entry_jumppad:
0x0: {  	(pc) =	sbr.rel $0x88, $3  }
0x1: {  	(tag) =	ssettag $0x0;
	lr =	simm.s32 $0x1  }
0x2: {  	[smem:$0x3F92] =	sst lr;
	_ =	strace $0xD0000000  }
0x3: {  	_ = 	snop  }
0x4: {  	_ = 	snop  }
0x5: {  	_ = 	snop  }
0x6: {  	_ = 	snop  }
0x7: {  	_ = 	snop  }
__scs_overlays_trampoline_lowered:
0x8: {  	[smem:$0x3FA1] =	sst s0  }
0x9: {  	[smem:$0x3FA2] =	sst s1  }
0xa: {  	[smem:$0x3FA3] =	sst s2  }
0xb: {  	[smem:$0x3FA4] =	sst s3  }
0xc: {  	[smem:$0x3FA5] =	sst s4  }
0xd: {  	[smem:$0x3FA6] =	sst s5  }
0xe: {  	[smem:$0x3FA7] =	sst s6  }
0xf: {  	[smem:$0x3FA8] =	sst s7  }
0x10: {  	[smem:$0x3FA9] =	sst s8  }
0x11: {  	[smem:$0x3FAA] =	sst s9;
	s0 =	simm.s32 @!p0 $0x0  }
0x12: {  	s1 =	sld [smem:$0x3F90];
	s0 =	simm.s32 @p0 $0x1  }
0x13: {  	[smem:$0x3FAB] =	sst s0;
	s0 =	simm.s32 @!p1 $0x0  }
0x14: {  	s2 =	sld [smem:$0x3F8F];
	s0 =	simm.s32 @p1 $0x1  }
0x15: {  	[smem:$0x3FAC] =	sst s0;
	s0 =	simm.s32 @!p2 $0x0  }
0x16: {  	s3 =	sld [smem:$0x3FDB];
	s0 =	simm.s32 @p2 $0x1  }
0x17: {  	s4 =	simm.s32 $0x1BF5;
	[smem:$0x3FAE] =	sst s0  }
0x18: {  	s0 =	sld [smem:$0x3F91];
	_ =	swait.ge [sflag:s4], $0x0  }
0x19: {  	s7 =	sld [smem:$0x3F92]  }
0x1a: {  	s8 =	sadd.s32 $0xFFFFE003, lr  }
0x1b: {  	s9 =	sadd.s32 $0xFFFFFEF7, lr;
	s5 =	simm.s32 $0xFFFFFFFF;
	p2 =	slt.u32 s8, $0xFFFFF086  }
0x1c: {  	p1 =	slt.u32 s9, $0xF7A;
	s5 =	simm.s32 @!p2 $0x0  }
0x1d: {  	s5 =	simm.s32 @p1 $0x1;
	p0 =	seq.s32 s7, s2  }
0x1e: {  	s7 =	smul.u32 @!p0 $0xF7A, s2;
	p2 =	seq.s32 @!p0 s5, $0x0  }
0x1f: {  	s9 =	smul.u32 $0xF7A, s1;
	s8 =	simm.s32 @!p0 $0x1BF5;
	p2 =	por !p2, p0  }
0x20: {  	[sflag:s8] =	ssyncset.s32 @!p0 $0xFFFFF086;
	s6 =	sadd.s32 @!p0 s3, s7;
	s7 =	simm.s32 @!p0 $0x108  }
0x21: {  	s3 =	sadd.s32 s3, s9;
	s6 =	sadd.s32 @!p0 $0x88, s6;
	s7 =	simm.s32 @p2 $0x1082  }
0x22: {  	[simem:s7], [sflag:s8] =	dma.local @!p0 [hbm:s6], $0xF7A  }
0x23: {  	s9 =	sor.u32 $0xD0000000, s2;
	s6 =	simm.s32 $0x108;
	_ =	swait.ge @!p0 [sflag:s8], $0x0  }
0x24: {  	s3 =	sadd.s32 $0x88, s3;
	s6 =	simm.s32 @!p1 $0x1082;
	[sflag:s4] =	ssyncset.s32 $0xFFFFF086  }
0x25: {  	[simem:s6], [sflag:s4] =	dma.local [hbm:s3], $0xF7A  }
0x26: {  	[smem:$0x3F92] =	sst s1;
	(tag) =	ssettag s2;
	_ =	strace s9  }
0x27: {  	s1 =	sld [smem:$0x3FA2]  }
0x28: {  	s2 =	sld [smem:$0x3FA3]  }
0x29: {  	s4 =	sld [smem:$0x3FA5]  }
0x2a: {  	p0 =	seq.s32 s5, $0x0;
	s5 =	sld [smem:$0x3FA6]  }
0x2b: {  	s6 =	sld [smem:$0x3FA7]  }
0x2c: {  	s7 =	sld [smem:$0x3FA8]  }
0x2d: {  	s3 =	simm.s32 $0x108;
	s8 =	sld [smem:$0x3FA9]  }
0x2e: {  	s3 =	simm.s32 @!p0 $0x1082;
	s9 =	sld [smem:$0x3FAA]  }
0x2f: {  	lr =	sadd.s32 s0, s3;
	s0 =	sld [smem:$0x3FA1]  }
0x30: {  	s3 =	sld [smem:$0x3FA4]  }
0x31: {  	[smem:$0x3FAD] =	sst s10  }
0x32: {  	s10 =	sld [smem:$0x3FAB];
	_ =	sdelay $0x3  }
0x33: {  	p0 =	seq.s32 s10, $0x1;
	s10 =	sld [smem:$0x3FAD];
	_ =	sdelay $0x3  }
0x34: {  	[smem:$0x3FAD] =	sst s10  }
0x35: {  	s10 =	sld [smem:$0x3FAC];
	_ =	sdelay $0x3  }
0x36: {  	p1 =	seq.s32 s10, $0x1;
	s10 =	sld [smem:$0x3FAD];
	_ =	sdelay $0x3  }
0x37: {  	[smem:$0x3FAD] =	sst s10  }
0x38: {  	s10 =	sld [smem:$0x3FAE]  }
0x39: {  	_ = 	snop;
	(pc) =	sbr.ind lr, $3  }
0x3a: {  	_ = 	snop  }
0x3b: {  	_ = 	snop  }
0x3c: {  	p2 =	seq.s32 s10, $0x1;
	s10 =	sld [smem:$0x3FAD]  }
0x3d: {  	_ =	shalt  }
0x3e: {  	_ =	shalt  }
0x3f: {  	_ =	shalt  }
0x40: {  	_ =	shalt  }
0x41: {  	_ =	shalt  }
0x42: {  	_ =	shalt  }
0x43: {  	_ =	shalt  }
0x44: {  	_ =	shalt  }
0x45: {  	_ =	shalt  }
0x46: {  	_ =	shalt  }
0x47: {  	_ =	shalt  }
0x48: {  	_ =	shalt  }
0x49: {  	_ =	shalt  }
0x4a: {  	_ =	shalt  }
0x4b: {  	_ =	shalt  }
0x4c: {  	_ =	shalt  }
0x4d: {  	_ =	shalt  }
0x4e: {  	_ =	shalt  }
0x4f: {  	_ =	shalt  }
0x50: {  	_ =	shalt  }
0x51: {  	_ =	shalt  }
0x52: {  	_ =	shalt  }
0x53: {  	_ =	shalt  }
0x54: {  	_ =	shalt  }
0x55: {  	_ =	shalt  }
0x56: {  	_ =	shalt  }
0x57: {  	_ =	shalt  }
0x58: {  	_ =	shalt  }
0x59: {  	_ =	shalt  }
0x5a: {  	_ =	shalt  }
0x5b: {  	_ =	shalt  }
0x5c: {  	_ =	shalt  }
0x5d: {  	_ =	shalt  }
0x5e: {  	_ =	shalt  }
0x5f: {  	_ =	shalt  }
0x60: {  	_ =	shalt  }
0x61: {  	_ =	shalt  }
0x62: {  	_ =	shalt  }
0x63: {  	_ =	shalt  }
0x64: {  	_ =	shalt  }
0x65: {  	_ =	shalt  }
0x66: {  	_ =	shalt  }
0x67: {  	_ =	shalt  }
0x68: {  	_ =	shalt  }
0x69: {  	_ =	shalt  }
0x6a: {  	_ =	shalt  }
0x6b: {  	_ =	shalt  }
0x6c: {  	_ =	shalt  }
0x6d: {  	_ =	shalt  }
0x6e: {  	_ =	shalt  }
0x6f: {  	_ =	shalt  }
0x70: {  	_ =	shalt  }
0x71: {  	_ =	shalt  }
0x72: {  	_ =	shalt  }
0x73: {  	_ =	shalt  }
0x74: {  	_ =	shalt  }
0x75: {  	_ =	shalt  }
0x76: {  	_ =	shalt  }
0x77: {  	_ =	shalt  }
0x78: {  	_ =	shalt  }
0x79: {  	_ =	shalt  }
0x7a: {  	_ =	shalt  }
0x7b: {  	_ =	shalt  }
0x7c: {  	_ =	shalt  }
0x7d: {  	_ =	shalt  }
0x7e: {  	_ =	shalt  }
0x7f: {  	_ =	shalt  }
0x80: {  	_ =	shalt  }
0x81: {  	_ =	shalt  }
0x82: {  	_ =	shalt  }
0x83: {  	_ =	shalt  }
0x84: {  	_ =	shalt  }
0x85: {  	_ =	shalt  }
0x86: {  	_ =	shalt  }
0x87: {  	_ =	shalt  }
.Lfunc_end0:
.L_simem_size_0:
called_computation.3_lowered:
.L_overlay_start_0:
0x88: {  	s2 =	sld [smem:$0x3FD9]  }
0x89: {  	s3 =	sld [smem:$0x3FFE];
	_ =	sdelay $0x1  }
0x8a: {  	s1 =	srdreg.scid  }
0x8b: {  	s0 =	sand.u32 $0x1, s1  }
0x8c: {  	s17 =	sshll.u32 s0, $0xA;
	s2 =	sadd.s32 s3, s2  }
0x8d: {  	s2 =	sadd.s32 s2, s17  }
0x8e: {  	[smem:$0x3FB9] =	sst s2  }
0x8f: {  	_ = 	snop  }
0x90: {  	s2 =	sld [smem:$0x3FC8];
	(tm) =	ssettm $0x1  }
0x91: {  	s18 =	sld [smem:$0x3FFB];
	_ =	sdelay $0x3  }
0x92: {  	_ =	strace s18  }
0x93: {  	s3 =	sld [smem:$0x3FFC];
	_ =	sdelay $0x3  }
0x94: {  	_ =	strace s3  }
0x95: {  	s3 =	sld [smem:$0x3FFD];
	_ =	sdelay $0x3  }
0x96: {  	_ =	strace s3  }
0x97: {  	_ =	strace $0x8FFFFFFF  }
0x98: {  	s19 =	sld [smem:$0x3FDB];
	_ =	sdelay $0x1  }
0x99: {  	s4 =	simm.s32 $_scs_section_size  }
0x9a: {  	s5 =	simm.s32 $_size__tile_overlayer_lowered;
	s6 =	simm.s32 $_tile_overlayer_lowered  }
0x9b: {  	s22 =	simm.s32 $0x1BFF;
	s21 =	sshll.u32 s6, $0x1;
	s3 =	sadd.s32 s4, s19  }
0x9c: {  	s7 =	simm.s32 $0x0;
	s20 =	sshll.u32 s5, $0x1;
	s5 =	sadd.s32 s21, s3  }
0x9d: {  	[timem:s7], [sflag:s22] =	dma.local [hbm:s5], s20  }
0x9e: {  	_ =	swait.ge [sflag:s22], s20  }
0x9f: {  	s4 =	ssub.s32 $0x0, s20;
	[sflag:s22] =	ssyncset.done $0x0  }
0xa0: {  	[sflag:s22] =	ssyncadd.s32 s4;
	_ =	sdelay $0x1  }
0xa1: {  	s23 =	simm.s32 $0x1B8B  }
0xa2: {  	_ =	swait.ge [sflag:s23], $0x1  }
0xa3: {  	[sflag:s23] =	ssyncset.done $0x0  }
0xa4: {  	s25 =	simm.s32 $0x1B8E;
	s24 =	sld [smem:$0x3FFE];
	[sflag:s23] =	ssyncadd.s32 $0xFFFFFFFF  }
0xa5: {  	s26 =	simm.s32 $execute0_lowered;
	[smem:$0x3FD2] =	sst s25  }
0xa6: {  	s5 =	sshll.u32 s26, $0x1;
	_ =	strace $0x8000004F;
	[dreg:$0x1] =	wrdreg $0xFFFFFFFF  }
0xa7: {  	s28 =	simm.s32 $_size_execute0_lowered;
	s3 =	sadd.s32 s3, s5;
	[dreg:$0x0] =	wrdreg $0x0  }
0xa8: {  	s5 =	sshll.u32 s28, $0x1;
	[dreg:$0x2] =	wrdreg s3  }
0xa9: {  	[dreg:$0x3] =	wrdreg s5  }
0xaa: {  	[dreg:$0x4] =	wrdreg $0xC0  }
0xab: {  	_ =	task [dreg:s7], $0x5FFFF  }
0xac: {  	[dreg:$0x1] =	wrdreg $0xFFFFFFFF  }
0xad: {  	[dreg:$0x0] =	wrdreg $0x60  }
0xae: {  	[dreg:$0x2] =	wrdreg s2  }
0xaf: {  	[dreg:$0x3] =	wrdreg s24  }
0xb0: {  	[dreg:$0x4] =	wrdreg $0x81000  }
0xb1: {  	[dreg:$0x5] =	wrdreg $0x9  }
0xb2: {  	_ =	task.clear_ibuf [dreg:s7], $0x6FFFF;
	_ =	strace $0x9000004F  }
0xb3: {  	s29 =	simm.s32 $0x9;
	_ =	strace $0x80000051  }
0xb4: {  	_ =	swait.ge [sflag:s29], $0x1  }
0xb5: {  	[sflag:s29] =	ssyncadd.s32 $0xFFFFFFFF  }
0xb6: {  	_ =	strace $0x90000051  }
0xb7: {  	_ =	sfence  }
0xb8: {  	s30 =	sld [smem:$0x0];
	_ =	sdelay $0x2  }
0xb9: {  	s31 =	sshll.u32 s1, $0xD;
	s1 =	sshrl.u32 s1, $0x2  }
0xba: {  	s3 =	sand.u32 $0x4000, s31;
	s1 =	sadd.s32 s1, s30  }
0xbb: {  	s0 =	sor.u32 s3, s0;
	s1 =	sshll.u32 s1, $0x11  }
0xbc: {  	s0 =	sor.u32 s1, s0  }
0xbd: {  	s0 =	sadd.s32 $0x8F2B, s0  }
0xbe: {  	[sflag:s0] =	ssyncadd.remote.s32 $0x1  }
0xbf: {  	_ =	sfence.sel $0xFFFF  }
0xc0: {  	[dreg:$0x0] =	wrdreg $0xFFFFFFFF;
	(pc) =	sbr.abs _section_cstart, $3  }
0xc1: {  	[dreg:$0x1] =	wrdreg $0xFFFFFFFF  }
0xc2: {  	_ =	task.clear_ibuf [dreg:s7], $0x2FFFF;
	_ =	strace $0x9FFFFFFF  }
0xc3: {  	(tm) =	ssettm $0x7FFFFFFF  }
tec
execute0_lowered:
.L_overlay_start_1:
0x0: {  	(tag) =	ssettag $0x1  }
0x1: {  	s10 =	rddreg [dreg:$0x0]  }
0x2: {  	s4 =	rddreg [dreg:$0x1]  }
0x3: {  	s1 =	rddreg [dreg:$0x2]  }
0x4: {  	s0 =	rddreg [dreg:$0x3];
	s2 =	simm.s32 $0x0  }
0x5: {  	s3 =	srdreg.scid;
	s12 =	stileid.u32;
	s16 =	simm.s32 $0x80  }
0x6: {  	s17 =	simm.s32 $0x2;
	s18 =	simm.s32 $0x4100;
	s19 =	simm.s32 $0x0  }
0x7: {  	[smem:$0x7FF] =	sst s2;
	s11 =	sand.u32 $0x1, s3;
	s28 =	sshll.u32 s12, $0x1  }
0x8: {  	s13 =	sadd.s32 $0x4E5E00, s4;
	s14 =	sshll.u32 s12, $0x6;
	s15 =	sshll.u32 s12, $0xC  }
0x9: {  	p0 =	sne.s32 s12, $0x0;
	_ =	strace $0x80000050;
	s5 =	smul.u32 $0x27100, s11  }
0xa: {  	s6 =	ssub.s32 $0x2, s11;
	s3 =	sor.u32 s11, s28;
	s31 =	sshll.u32 s11, $0x5  }
0xb: {  	s11 =	sshll.u32 s11, $0xB;
	s12 =	sshrl.u32 @!p0 s1, $0x3;
	s7 =	sshrl.u32 s6, $0x1  }
0xc: {  	s29 =	sshll.u32 s3, $0x5;
	s30 =	sshll.u32 s3, $0xB;
	s8 =	sadd.s32 s5, s4  }
0xd: {  	s9 =	ssub.s32 s6, s7;
	s5 =	sadd.s32 s29, s10;
	s6 =	sadd.s32 s13, s30  }
.Ltmp0:
0xe: {  	s7 =	ssub.s32 $0x271, s3;
	s10 =	sadd.s32 s14, s10;
	(pc) =	sbr.rel .LBB2_1-.Ltmp0, $4  }
0xf: {  	s13 =	sadd.s32 s15, s13;
	s14 =	simm.s32 $0x100;
	s15 =	simm.s32 $0x1  }
0x10: {  	s4 =	sadd.s32 $0x52000, s8;
	s5 =	sadd.s32 $0x4E30, s5;
	s8 =	sadd.s32 $0x3E00, s8  }
0x11: {  	s9 =	smax.u32 s9, $0x1;
	s10 =	sadd.s32 s31, s10;
	s11 =	sadd.s32 s11, s13  }
0x12: {  	s13 =	simm.s32 $0x3;
	s10 =	sadd.s32 $0x5230, s10;
	s11 =	sadd.s32 $0x10000, s11  }
.LBB2_9:
0x13: {  	[bflag:$0x0] =	sbarrier.arrive $0xFFFF;
	s20 =	simm.s32 @!p0 $0x1C03;
	s19 =	sadd.s32 $0x1, s19  }
0x14: {  	[hbm:s8], [sflag:s20] =	dma.local @!p0 [spmem:s12], $0x27100  }
0x15: {  	p1 =	sne.s32 s19, s9  }
.Ltmp1:
0x16: {  	_ = 	snop;
	(pc) =	sbr.rel @!p1 .LBB2_10-.Ltmp1, $4  }
0x17: {  	s20 =	simm.s32 @!p0 $0x3  }
0x18: {  	_ =	swait.ge @!p0 [sflag:s20], $0x27100  }
0x19: {  	[sflag:s20] =	ssyncset.done @!p0 $0x0  }
0x1a: {  	[sflag:s20] =	ssyncadd.s32 @!p0 $0xFFFD8F00  }
.LBB2_1:
0x1b: {  	s20 =	simm.s32 @!p0 $0x1C03  }
0x1c: {  	[spmem:s12], [sflag:s20] =	dma.local @!p0 [hbm:s4], $0x27100  }
0x1d: {  	s20 =	simm.s32 @!p0 $0x3  }
0x1e: {  	_ =	swait.ge @!p0 [sflag:s20], $0x27100  }
0x1f: {  	[sflag:s20] =	ssyncset.done @!p0 $0x0  }
0x20: {  	[sflag:s20] =	ssyncadd.s32 @!p0 $0xFFFD8F00  }
0x21: {  	[bflag:$0x0] =	sbarrier.arrive $0xFFFF  }
0x22: {  	[tilespmem:s2], [sflag:$0x3] =	stream.linear.gather [hbm4b:s5+s2], $0x80, $0x38;
	[tilespmem:$0x1B980] =	vst v63  }
.Ltmp2:
0x23: {  	_ = 	snop;
	(pc) =	sbr.rel .LBB2_2-.Ltmp2, $4  }
0x24: {  	_ =	swait.ge [sflag:s13], $0x80  }
0x25: {  	s21 =	smov.u32 s11;
	s22 =	smov.u32 s10;
	[sflag:s13] =	ssyncset.done $0x0  }
0x26: {  	s23 =	simm.s32 $0x0;
	s20 =	simm.s32 $0x0;
	[sflag:s13] =	ssyncadd.s32 $0xFFFFFF80  }
0x27: {  	[tilespmem:s14], [sflag:$0x1] =	stream.linear.gather [hbm4b:s6+s2], $0x4000, $0x38;
	[tilespmem:$0x1B980] =	vst v63  }
.LBB2_7:
0x28: {  	_ =	swait.ge [sflag:s24], $0x4000  }
0x29: {  	[sflag:s24] =	ssyncset.done $0x0  }
0x2a: {  	[sflag:s24] =	ssyncadd.s32 $0xFFFFC000  }
.LBB2_8:
0x2b: {  	s23 =	sadd.s32 $0x1, s23  }
0x2c: {  	p1 =	sne.s32 s23, $0x14  }
.Ltmp3:
0x2d: {  	_ = 	snop;
	(pc) =	sbr.rel @!p1 .LBB2_9-.Ltmp3, $2  }
0x2e: {  	_ =	sdelay $0x2  }
0x2f: {  	s22 =	sadd.s32 $0x400, s22;
	s21 =	sadd.s32 $0x10000, s21;
	s20 =	sadd.s32 $0x20, s20  }
.LBB2_2:
0x30: {  	s24 =	sand.u32 $0x1, s23  }
0x31: {  	p1 =	seq.s32 s24, $0x1  }
.Ltmp4:
0x32: {  	_ = 	snop;
	(pc) =	sbr.rel @p1 .LBB2_5-.Ltmp4, $3  }
0x33: {  	_ =	sdelay $0x1  }
0x34: {  	s24 =	sadd.s32 s20, s3  }
0x35: {  	s25 =	sadd.s32 $0x20, s24  }
0x36: {  	p1 =	sgt.u32 s25, $0x270  }
0x37: {  	s25 =	simm.s32 @!p1 $0x0;
	s26 =	simm.s32 @!p1 $0x80  }
0x38: {  	[tilespmem:s26], [sflag:$0x4] =	stream.linear.gather @!p1 [hbm4b:s22+s25], $0x80, $0x38;
	[tilespmem:$0x1B980] =	vst v63  }
0x39: {  	s26 =	simm.s32 @!p1 $0x4  }
0x3a: {  	_ =	swait.ge @!p1 [sflag:s26], $0x80  }
0x3b: {  	[sflag:s26] =	ssyncset.done @!p1 $0x0  }
0x3c: {  	[sflag:s26] =	ssyncadd.s32 @!p1 $0xFFFFFF80;
	s26 =	simm.s32 @!p1 $0x4100  }
0x3d: {  	[tilespmem:s26], [sflag:$0x2] =	stream.linear.gather @!p1 [hbm4b:s21+s25], $0x4000, $0x38;
	[tilespmem:$0x1B980] =	vst v63  }
0x3e: {  	p1 =	sgt.u32 s24, $0x270  }
.Ltmp5:
0x3f: {  	_ = 	snop;
	(pc) =	sbr.rel @p1 .LBB2_8-.Ltmp5, $1  }
0x40: {  	_ =	sdelay $0x3  }
.Ltmp6:
0x41: {  	(pc) =	sbr.rel .LBB2_7-.Ltmp6, $4  }
0x42: {  	_ =	swait.ge [sflag:s15], $0x4000  }
0x43: {  	[sflag:s15] =	ssyncset.done $0x0  }
0x44: {  	s24 =	simm.s32 $0x4;
	[sflag:s15] =	ssyncadd.s32 $0xFFFFC000  }
0x45: {  	[spmem:s1] =	stream.indirect.scatter.add.f32 [tilespmem:s14], [sflag:$0x4], $0x80, s2, s16, $0xb8;
	[tilespmem:$0x1B980] =	vst v63  }
.LBB2_5:
0x46: {  	p1 =	sgt.u32 s25, $0x270  }
0x47: {  	s24 =	simm.s32 @!p1 $0x0;
	s25 =	simm.s32 @!p1 $0x4  }
0x48: {  	[tilespmem:s24], [sflag:$0x4] =	stream.linear.gather @!p1 [hbm4b:s22+s24], $0x80, $0x38;
	[tilespmem:$0x1B980] =	vst v63  }
0x49: {  	_ =	swait.ge @!p1 [sflag:s25], $0x80  }
0x4a: {  	[sflag:s25] =	ssyncset.done @!p1 $0x0  }
0x4b: {  	[sflag:s25] =	ssyncadd.s32 @!p1 $0xFFFFFF80;
	s25 =	simm.s32 @!p1 $0x100  }
0x4c: {  	[tilespmem:s25], [sflag:$0x1] =	stream.linear.gather @!p1 [hbm4b:s21+s24], $0x4000, $0x38;
	[tilespmem:$0x1B980] =	vst v63  }
0x4d: {  	p1 =	sge.u32 s20, s7  }
.Ltmp7:
0x4e: {  	_ = 	snop;
	(pc) =	sbr.rel @p1 .LBB2_8-.Ltmp7, $1  }
0x4f: {  	_ =	sdelay $0x3  }
.Ltmp8:
0x50: {  	(pc) =	sbr.rel .LBB2_7-.Ltmp8, $4  }
0x51: {  	_ =	swait.ge [sflag:s17], $0x4000  }
0x52: {  	[sflag:s17] =	ssyncset.done $0x0  }
0x53: {  	s24 =	simm.s32 $0x3;
	[sflag:s17] =	ssyncadd.s32 $0xFFFFC000  }
0x54: {  	[spmem:s1] =	stream.indirect.scatter.add.f32 [tilespmem:s18], [sflag:$0x3], $0x80, s16, s16, $0xb8;
	[tilespmem:$0x1B980] =	vst v63  }
.LBB2_10:
0x55: {  	_ =	sfence.sel $0x180000  }
0x56: {  	[bflag:$0x0] =	sbarrier.arrive $0xFFFF  }
0x57: {  	_ =	strace $0x90000050  }
0x58: {  	s0 =	sadd.s32 @!p0 $0x100000, s0;
	[bflag:$0x2] =	sbarrier.arrive $0xFFFF  }
0x59: {  	[sflag:s0] =	ssyncadd.tile.s32 @!p0 $0x1;
	_ =	shalt  }
.Lfunc_end2:
_tile_overlayer_lowered:
.L_overlay_start_2:
0x5a: {  	(tag) =	ssettag $0x2  }
0x5b: {  	s0 =	rddreg [dreg:$0x0];
	s2 =	stileid.u32  }
0x5c: {  	s1 =	rddreg [dreg:$0x1];
	p0 =	sne.s32 s2, $0x0  }
0x5d: {  	s3 =	rddreg [dreg:$0x2];
	[bflag:$0x3] =	sbarrier.arrive $0xFFFF;
	s2 =	simm.s32 @!p0 $0x1C03  }
0x5e: {  	[timem:s3], [sflag:s2] =	dma.local @!p0 [hbm:s0], s1  }
0x5f: {  	s0 =	simm.s32 @!p0 $0x3  }
0x60: {  	_ =	swait.ge @!p0 [sflag:s0], s1  }
0x61: {  	s1 =	ssub.s32 @!p0 $0x0, s1;
	[sflag:s0] =	ssyncset.done @!p0 $0x0  }
0x62: {  	[sflag:s0] =	ssyncadd.s32 @!p0 s1  }
0x63: {  	[bflag:$0x3] =	sbarrier.arrive $0xFFFF  }
0x64: {  	_ =	shalt  }

// kernel: kernel.9.cloned.1.call-start
scs
__scs_entry_jumppad:
0x0: {  	(pc) =	sbr.rel $0x88, $3  }
0x1: {  	(tag) =	ssettag $0x0;
	lr =	simm.s32 $0x1  }
0x2: {  	[smem:$0x3F92] =	sst lr;
	_ =	strace $0xD0000000  }
0x3: {  	_ = 	snop  }
0x4: {  	_ = 	snop  }
0x5: {  	_ = 	snop  }
0x6: {  	_ = 	snop  }
0x7: {  	_ = 	snop  }
__scs_overlays_trampoline_lowered:
0x8: {  	[smem:$0x3FA1] =	sst s0  }
0x9: {  	[smem:$0x3FA2] =	sst s1  }
0xa: {  	[smem:$0x3FA3] =	sst s2  }
0xb: {  	[smem:$0x3FA4] =	sst s3  }
0xc: {  	[smem:$0x3FA5] =	sst s4  }
0xd: {  	[smem:$0x3FA6] =	sst s5  }
0xe: {  	[smem:$0x3FA7] =	sst s6  }
0xf: {  	[smem:$0x3FA8] =	sst s7  }
0x10: {  	[smem:$0x3FA9] =	sst s8  }
0x11: {  	[smem:$0x3FAA] =	sst s9;
	s0 =	simm.s32 @!p0 $0x0  }
0x12: {  	s1 =	sld [smem:$0x3F90];
	s0 =	simm.s32 @p0 $0x1  }
0x13: {  	[smem:$0x3FAB] =	sst s0;
	s0 =	simm.s32 @!p1 $0x0  }
0x14: {  	s2 =	sld [smem:$0x3F8F];
	s0 =	simm.s32 @p1 $0x1  }
0x15: {  	[smem:$0x3FAC] =	sst s0;
	s0 =	simm.s32 @!p2 $0x0  }
0x16: {  	s3 =	sld [smem:$0x3FDB];
	s0 =	simm.s32 @p2 $0x1  }
0x17: {  	s4 =	simm.s32 $0x1BF5;
	[smem:$0x3FAE] =	sst s0  }
0x18: {  	s0 =	sld [smem:$0x3F91];
	_ =	swait.ge [sflag:s4], $0x0  }
0x19: {  	s7 =	sld [smem:$0x3F92]  }
0x1a: {  	s8 =	sadd.s32 $0xFFFFE003, lr  }
0x1b: {  	s9 =	sadd.s32 $0xFFFFFEF7, lr;
	s5 =	simm.s32 $0xFFFFFFFF;
	p2 =	slt.u32 s8, $0xFFFFF086  }
0x1c: {  	p1 =	slt.u32 s9, $0xF7A;
	s5 =	simm.s32 @!p2 $0x0  }
0x1d: {  	s5 =	simm.s32 @p1 $0x1;
	p0 =	seq.s32 s7, s2  }
0x1e: {  	s7 =	smul.u32 @!p0 $0xF7A, s2;
	p2 =	seq.s32 @!p0 s5, $0x0  }
0x1f: {  	s9 =	smul.u32 $0xF7A, s1;
	s8 =	simm.s32 @!p0 $0x1BF5;
	p2 =	por !p2, p0  }
0x20: {  	[sflag:s8] =	ssyncset.s32 @!p0 $0xFFFFF086;
	s6 =	sadd.s32 @!p0 s3, s7;
	s7 =	simm.s32 @!p0 $0x108  }
0x21: {  	s3 =	sadd.s32 s3, s9;
	s6 =	sadd.s32 @!p0 $0x88, s6;
	s7 =	simm.s32 @p2 $0x1082  }
0x22: {  	[simem:s7], [sflag:s8] =	dma.local @!p0 [hbm:s6], $0xF7A  }
0x23: {  	s9 =	sor.u32 $0xD0000000, s2;
	s6 =	simm.s32 $0x108;
	_ =	swait.ge @!p0 [sflag:s8], $0x0  }
0x24: {  	s3 =	sadd.s32 $0x88, s3;
	s6 =	simm.s32 @!p1 $0x1082;
	[sflag:s4] =	ssyncset.s32 $0xFFFFF086  }
0x25: {  	[simem:s6], [sflag:s4] =	dma.local [hbm:s3], $0xF7A  }
0x26: {  	[smem:$0x3F92] =	sst s1;
	(tag) =	ssettag s2;
	_ =	strace s9  }
0x27: {  	s1 =	sld [smem:$0x3FA2]  }
0x28: {  	s2 =	sld [smem:$0x3FA3]  }
0x29: {  	s4 =	sld [smem:$0x3FA5]  }
0x2a: {  	p0 =	seq.s32 s5, $0x0;
	s5 =	sld [smem:$0x3FA6]  }
0x2b: {  	s6 =	sld [smem:$0x3FA7]  }
0x2c: {  	s7 =	sld [smem:$0x3FA8]  }
0x2d: {  	s3 =	simm.s32 $0x108;
	s8 =	sld [smem:$0x3FA9]  }
0x2e: {  	s3 =	simm.s32 @!p0 $0x1082;
	s9 =	sld [smem:$0x3FAA]  }
0x2f: {  	lr =	sadd.s32 s0, s3;
	s0 =	sld [smem:$0x3FA1]  }
0x30: {  	s3 =	sld [smem:$0x3FA4]  }
0x31: {  	[smem:$0x3FAD] =	sst s10  }
0x32: {  	s10 =	sld [smem:$0x3FAB];
	_ =	sdelay $0x3  }
0x33: {  	p0 =	seq.s32 s10, $0x1;
	s10 =	sld [smem:$0x3FAD];
	_ =	sdelay $0x3  }
0x34: {  	[smem:$0x3FAD] =	sst s10  }
0x35: {  	s10 =	sld [smem:$0x3FAC];
	_ =	sdelay $0x3  }
0x36: {  	p1 =	seq.s32 s10, $0x1;
	s10 =	sld [smem:$0x3FAD];
	_ =	sdelay $0x3  }
0x37: {  	[smem:$0x3FAD] =	sst s10  }
0x38: {  	s10 =	sld [smem:$0x3FAE]  }
0x39: {  	_ = 	snop;
	(pc) =	sbr.ind lr, $3  }
0x3a: {  	_ = 	snop  }
0x3b: {  	_ = 	snop  }
0x3c: {  	p2 =	seq.s32 s10, $0x1;
	s10 =	sld [smem:$0x3FAD]  }
0x3d: {  	_ =	shalt  }
0x3e: {  	_ =	shalt  }
0x3f: {  	_ =	shalt  }
0x40: {  	_ =	shalt  }
0x41: {  	_ =	shalt  }
0x42: {  	_ =	shalt  }
0x43: {  	_ =	shalt  }
0x44: {  	_ =	shalt  }
0x45: {  	_ =	shalt  }
0x46: {  	_ =	shalt  }
0x47: {  	_ =	shalt  }
0x48: {  	_ =	shalt  }
0x49: {  	_ =	shalt  }
0x4a: {  	_ =	shalt  }
0x4b: {  	_ =	shalt  }
0x4c: {  	_ =	shalt  }
0x4d: {  	_ =	shalt  }
0x4e: {  	_ =	shalt  }
0x4f: {  	_ =	shalt  }
0x50: {  	_ =	shalt  }
0x51: {  	_ =	shalt  }
0x52: {  	_ =	shalt  }
0x53: {  	_ =	shalt  }
0x54: {  	_ =	shalt  }
0x55: {  	_ =	shalt  }
0x56: {  	_ =	shalt  }
0x57: {  	_ =	shalt  }
0x58: {  	_ =	shalt  }
0x59: {  	_ =	shalt  }
0x5a: {  	_ =	shalt  }
0x5b: {  	_ =	shalt  }
0x5c: {  	_ =	shalt  }
0x5d: {  	_ =	shalt  }
0x5e: {  	_ =	shalt  }
0x5f: {  	_ =	shalt  }
0x60: {  	_ =	shalt  }
0x61: {  	_ =	shalt  }
0x62: {  	_ =	shalt  }
0x63: {  	_ =	shalt  }
0x64: {  	_ =	shalt  }
0x65: {  	_ =	shalt  }
0x66: {  	_ =	shalt  }
0x67: {  	_ =	shalt  }
0x68: {  	_ =	shalt  }
0x69: {  	_ =	shalt  }
0x6a: {  	_ =	shalt  }
0x6b: {  	_ =	shalt  }
0x6c: {  	_ =	shalt  }
0x6d: {  	_ =	shalt  }
0x6e: {  	_ =	shalt  }
0x6f: {  	_ =	shalt  }
0x70: {  	_ =	shalt  }
0x71: {  	_ =	shalt  }
0x72: {  	_ =	shalt  }
0x73: {  	_ =	shalt  }
0x74: {  	_ =	shalt  }
0x75: {  	_ =	shalt  }
0x76: {  	_ =	shalt  }
0x77: {  	_ =	shalt  }
0x78: {  	_ =	shalt  }
0x79: {  	_ =	shalt  }
0x7a: {  	_ =	shalt  }
0x7b: {  	_ =	shalt  }
0x7c: {  	_ =	shalt  }
0x7d: {  	_ =	shalt  }
0x7e: {  	_ =	shalt  }
0x7f: {  	_ =	shalt  }
0x80: {  	_ =	shalt  }
0x81: {  	_ =	shalt  }
0x82: {  	_ =	shalt  }
0x83: {  	_ =	shalt  }
0x84: {  	_ =	shalt  }
0x85: {  	_ =	shalt  }
0x86: {  	_ =	shalt  }
0x87: {  	_ =	shalt  }
.Lfunc_end0:
.L_simem_size_0:
called_computation_lowered:
.L_overlay_start_0:
0x88: {  	s2 =	sld [smem:$0x3FD9]  }
0x89: {  	s3 =	sld [smem:$0x3FFE];
	_ =	sdelay $0x1  }
0x8a: {  	s1 =	srdreg.scid  }
0x8b: {  	s0 =	sand.u32 $0x1, s1  }
0x8c: {  	s17 =	sshll.u32 s0, $0xA;
	s2 =	sadd.s32 s3, s2  }
0x8d: {  	s2 =	sadd.s32 s2, s17  }
0x8e: {  	[smem:$0x3FB9] =	sst s2  }
0x8f: {  	_ = 	snop  }
0x90: {  	s2 =	sld [smem:$0x3FC9]  }
0x91: {  	s18 =	sld [smem:$0x3FC8];
	(tm) =	ssettm $0x1  }
0x92: {  	s4 =	sld [smem:$0x3FFB];
	_ =	sdelay $0x3  }
0x93: {  	_ =	strace s4  }
0x94: {  	s4 =	sld [smem:$0x3FFC];
	_ =	sdelay $0x3  }
0x95: {  	_ =	strace s4  }
0x96: {  	s4 =	sld [smem:$0x3FFD];
	_ =	sdelay $0x3  }
0x97: {  	_ =	strace s4  }
0x98: {  	_ =	strace $0x8FFFFFFF  }
0x99: {  	s19 =	sld [smem:$0x3FDB];
	_ =	sdelay $0x1  }
0x9a: {  	s5 =	simm.s32 $_scs_section_size  }
0x9b: {  	s6 =	simm.s32 $_size__tile_overlayer_lowered;
	s7 =	simm.s32 $_tile_overlayer_lowered  }
0x9c: {  	s22 =	simm.s32 $0x1BFF;
	s21 =	sshll.u32 s7, $0x1;
	s4 =	sadd.s32 s5, s19  }
0x9d: {  	s8 =	simm.s32 $0x0;
	s20 =	sshll.u32 s6, $0x1;
	s6 =	sadd.s32 s21, s4  }
0x9e: {  	[timem:s8], [sflag:s22] =	dma.local [hbm:s6], s20  }
0x9f: {  	_ =	swait.ge [sflag:s22], s20  }
0xa0: {  	s5 =	ssub.s32 $0x0, s20;
	[sflag:s22] =	ssyncset.done $0x0  }
0xa1: {  	[sflag:s22] =	ssyncadd.s32 s5;
	_ =	sdelay $0x1  }
0xa2: {  	s23 =	simm.s32 $0x1B8B  }
0xa3: {  	_ =	swait.ge [sflag:s23], $0x1  }
0xa4: {  	[sflag:s23] =	ssyncset.done $0x0  }
0xa5: {  	s25 =	simm.s32 $0x1B8E;
	s24 =	sld [smem:$0x3FFE];
	[sflag:s23] =	ssyncadd.s32 $0xFFFFFFFF  }
0xa6: {  	s26 =	simm.s32 $execute0_lowered;
	[smem:$0x3FD2] =	sst s25  }
0xa7: {  	s6 =	sshll.u32 s26, $0x1;
	_ =	strace $0x80000046;
	[dreg:$0x1] =	wrdreg $0xFFFFFFFF  }
0xa8: {  	s28 =	simm.s32 $_size_execute0_lowered;
	s4 =	sadd.s32 s4, s6;
	[dreg:$0x0] =	wrdreg $0x0  }
0xa9: {  	s6 =	sshll.u32 s28, $0x1;
	[dreg:$0x2] =	wrdreg s4  }
0xaa: {  	[dreg:$0x3] =	wrdreg s6  }
0xab: {  	[dreg:$0x4] =	wrdreg $0xC0  }
0xac: {  	_ =	task [dreg:s8], $0x5FFFF  }
0xad: {  	[dreg:$0x1] =	wrdreg $0xFFFFFFFF  }
0xae: {  	[dreg:$0x0] =	wrdreg $0x60  }
0xaf: {  	[dreg:$0x2] =	wrdreg s18  }
0xb0: {  	[dreg:$0x3] =	wrdreg s2  }
0xb1: {  	[dreg:$0x4] =	wrdreg s24  }
0xb2: {  	[dreg:$0x5] =	wrdreg $0xA  }
0xb3: {  	_ =	task.clear_ibuf [dreg:s8], $0x6FFFF;
	_ =	strace $0x90000046  }
0xb4: {  	s29 =	simm.s32 $0xA;
	_ =	strace $0x80000048  }
0xb5: {  	_ =	swait.ge [sflag:s29], $0x1  }
0xb6: {  	[sflag:s29] =	ssyncadd.s32 $0xFFFFFFFF  }
0xb7: {  	_ =	strace $0x90000048  }
0xb8: {  	_ =	sfence  }
0xb9: {  	s30 =	sld [smem:$0x0];
	_ =	sdelay $0x2  }
0xba: {  	s31 =	sshll.u32 s1, $0xD;
	s1 =	sshrl.u32 s1, $0x2  }
0xbb: {  	s3 =	sand.u32 $0x4000, s31;
	s1 =	sadd.s32 s1, s30  }
0xbc: {  	s0 =	sor.u32 s3, s0;
	s1 =	sshll.u32 s1, $0x11  }
0xbd: {  	s0 =	sor.u32 s1, s0  }
0xbe: {  	s0 =	sadd.s32 $0x8F2B, s0  }
0xbf: {  	[sflag:s0] =	ssyncadd.remote.s32 $0x1  }
0xc0: {  	_ =	sfence.sel $0xFFFF  }
0xc1: {  	[dreg:$0x0] =	wrdreg $0xFFFFFFFF;
	(pc) =	sbr.abs _section_cstart, $3  }
0xc2: {  	[dreg:$0x1] =	wrdreg $0xFFFFFFFF  }
0xc3: {  	_ =	task.clear_ibuf [dreg:s8], $0x2FFFF;
	_ =	strace $0x9FFFFFFF  }
0xc4: {  	(tm) =	ssettm $0x7FFFFFFF  }
0xc5: {  	_ =	shalt  }
tec
execute0_lowered:
.L_overlay_start_1:
0x0: {  	(tag) =	ssettag $0x1  }
0x1: {  	s6 =	rddreg [dreg:$0x0]  }
0x2: {  	s1 =	rddreg [dreg:$0x1]  }
0x3: {  	s5 =	rddreg [dreg:$0x2]  }
0x4: {  	s0 =	rddreg [dreg:$0x3];
	s3 =	simm.s32 $0x0;
	s2 =	stileid.u32  }
0x5: {  	s4 =	srdreg.scid;
	s12 =	simm.s32 $0x1;
	s13 =	simm.s32 $0x2  }
0x6: {  	s14 =	simm.s32 $0x4100;
	s15 =	simm.s32 $0x0;
	[smem:$0x7FF] =	sst s3  }
0x7: {  	s7 =	sand.u32 $0x1, s4;
	s28 =	sshll.u32 s2, $0x1;
	s8 =	sshll.u32 s2, $0xC  }
0x8: {  	s30 =	sshll.u32 s2, $0x6;
	_ =	strace $0x80000047;
	s9 =	ssub.s32 $0x2, s7  }
0x9: {  	s4 =	sor.u32 s7, s28;
	s8 =	sadd.s32 s8, s5;
	s11 =	sshll.u32 s7, $0xB  }
.Ltmp0:
0xa: {  	s7 =	sshll.u32 s7, $0x5;
	s29 =	sshrl.u32 s9, $0x1;
	(pc) =	sbr.rel .LBB2_1-.Ltmp0, $4  }
0xb: {  	s10 =	sshll.u32 s4, $0x5;
	s8 =	sadd.s32 s11, s8;
	s11 =	simm.s32 $0x100  }
0xc: {  	s9 =	ssub.s32 s9, s29;
	s5 =	sadd.s32 s6, s10;
	s10 =	sadd.s32 s30, s6  }
0xd: {  	s6 =	smax.u32 s9, $0x1;
	s31 =	sadd.s32 s7, s10;
	s7 =	sadd.s32 $0x3E00, s8  }
0xe: {  	s9 =	simm.s32 $0x3;
	s10 =	simm.s32 $0x80;
	s8 =	sadd.s32 $0x400, s31  }
.LBB2_9:
0xf: {  	s15 =	sadd.s32 $0x1, s15  }
0x10: {  	p0 =	sne.s32 s15, s6  }
.Ltmp1:
0x11: {  	_ = 	snop;
	(pc) =	sbr.rel @!p0 .LBB2_10-.Ltmp1, $1  }
0x12: {  	_ =	sdelay $0x3  }
.LBB2_1:
0x13: {  	[tilespmem:s3], [sflag:$0x3] =	stream.linear.gather [hbm4b:s5+s3], $0x80, $0x38;
	[tilespmem:$0x8100] =	vst v63  }
.Ltmp2:
0x14: {  	_ = 	snop;
	(pc) =	sbr.rel .LBB2_2-.Ltmp2, $4  }
0x15: {  	_ =	swait.ge [sflag:s9], $0x80  }
0x16: {  	s16 =	smov.u32 s8;
	s18 =	smov.u32 s4;
	[sflag:s9] =	ssyncset.done $0x0  }
0x17: {  	s17 =	smov.u32 s7;
	s19 =	simm.s32 $0x0;
	[sflag:s9] =	ssyncadd.s32 $0xFFFFFF80  }
0x18: {  	[tilespmem:s11], [sflag:$0x1] =	stream.indirect.gather [hbm4b:s1+s10], $0x80, s3, s10, $0xb8;
	[tilespmem:$0x8100] =	vst v63  }
.LBB2_7:
0x19: {  	_ =	swait.ge [sflag:s20], $0x4000  }
0x1a: {  	[sflag:s20] =	ssyncset.done $0x0  }
0x1b: {  	[sflag:s20] =	ssyncadd.s32 $0xFFFFC000  }
.LBB2_8:
0x1c: {  	s19 =	sadd.s32 $0x1, s19  }
0x1d: {  	p0 =	sne.s32 s19, $0x14  }
.Ltmp3:
0x1e: {  	_ = 	snop;
	(pc) =	sbr.rel @!p0 .LBB2_9-.Ltmp3, $2  }
0x1f: {  	_ =	sdelay $0x2  }
0x20: {  	s17 =	sadd.s32 $0x10000, s17;
	s16 =	sadd.s32 $0x400, s16  }
.LBB2_2:
0x21: {  	s21 =	sand.u32 $0x1, s19  }
0x22: {  	p0 =	seq.s32 s21, $0x1  }
.Ltmp4:
0x23: {  	_ = 	snop;
	(pc) =	sbr.rel @p0 .LBB2_5-.Ltmp4, $2  }
0x24: {  	_ =	sdelay $0x2  }
0x25: {  	s20 =	smov.u32 s18;
	s18 =	sadd.s32 $0x20, s18  }
0x26: {  	s21 =	sadd.s32 $0x20, s20  }
0x27: {  	p0 =	sgt.u32 s21, $0x270  }
0x28: {  	s21 =	simm.s32 @!p0 $0x0;
	s22 =	simm.s32 @!p0 $0x80  }
0x29: {  	[tilespmem:s22], [sflag:$0x4] =	stream.linear.gather @!p0 [hbm4b:s16+s21], $0x80, $0x38;
	[tilespmem:$0x8100] =	vst v63  }
0x2a: {  	s21 =	simm.s32 @!p0 $0x4  }
0x2b: {  	_ =	swait.ge @!p0 [sflag:s21], $0x80  }
0x2c: {  	[sflag:s21] =	ssyncset.done @!p0 $0x0  }
0x2d: {  	[sflag:s21] =	ssyncadd.s32 @!p0 $0xFFFFFF80;
	s21 =	simm.s32 @!p0 $0x4100  }
0x2e: {  	[tilespmem:s21], [sflag:$0x2] =	stream.indirect.gather @!p0 [hbm4b:s1+s22], $0x80, s22, s22, $0xb8;
	[tilespmem:$0x8100] =	vst v63  }
0x2f: {  	p0 =	sgt.u32 s20, $0x270  }
.Ltmp5:
0x30: {  	_ = 	snop;
	(pc) =	sbr.rel @p0 .LBB2_8-.Ltmp5, $1  }
0x31: {  	_ =	sdelay $0x3  }
.Ltmp6:
0x32: {  	(pc) =	sbr.rel .LBB2_7-.Ltmp6, $4  }
0x33: {  	_ =	swait.ge [sflag:s12], $0x4000  }
0x34: {  	[sflag:s12] =	ssyncset.done $0x0  }
0x35: {  	s20 =	simm.s32 $0x4;
	[sflag:s12] =	ssyncadd.s32 $0xFFFFC000  }
0x36: {  	[hbm4b:s17+s3] =	stream.linear.scatter [tilespmem:s11], [sflag:$0x4], $0x4000, $0x38;
	[tilespmem:$0x8100] =	vst v63  }
.LBB2_5:
0x37: {  	p0 =	sgt.u32 s18, $0x270  }
0x38: {  	s21 =	simm.s32 @!p0 $0x0;
	s22 =	simm.s32 @!p0 $0x4  }
0x39: {  	[tilespmem:s21], [sflag:$0x4] =	stream.linear.gather @!p0 [hbm4b:s16+s21], $0x80, $0x38;
	[tilespmem:$0x8100] =	vst v63  }
0x3a: {  	_ =	swait.ge @!p0 [sflag:s22], $0x80  }
0x3b: {  	[sflag:s22] =	ssyncset.done @!p0 $0x0  }
0x3c: {  	s23 =	simm.s32 @!p0 $0x100;
	[sflag:s22] =	ssyncadd.s32 @!p0 $0xFFFFFF80;
	s22 =	simm.s32 @!p0 $0x80  }
0x3d: {  	[tilespmem:s23], [sflag:$0x1] =	stream.indirect.gather @!p0 [hbm4b:s1+s22], $0x80, s21, s22, $0xb8;
	[tilespmem:$0x8100] =	vst v63  }
0x3e: {  	p0 =	sgt.u32 s20, $0x270  }
.Ltmp7:
0x3f: {  	_ = 	snop;
	(pc) =	sbr.rel @p0 .LBB2_8-.Ltmp7, $1  }
0x40: {  	_ =	sdelay $0x3  }
.Ltmp8:
0x41: {  	(pc) =	sbr.rel .LBB2_7-.Ltmp8, $4  }
0x42: {  	_ =	swait.ge [sflag:s13], $0x4000  }
0x43: {  	[sflag:s13] =	ssyncset.done $0x0  }
0x44: {  	s20 =	simm.s32 $0x3;
	[sflag:s13] =	ssyncadd.s32 $0xFFFFC000  }
0x45: {  	[hbm4b:s17+s3] =	stream.linear.scatter [tilespmem:s14], [sflag:$0x3], $0x4000, $0x38;
	[tilespmem:$0x8100] =	vst v63  }
.LBB2_10:
0x46: {  	_ =	sfence.sel $0x180000  }
0x47: {  	[bflag:$0x0] =	sbarrier.arrive $0xFFFF  }
0x48: {  	p0 =	sne.s32 s2, $0x0;
	_ =	strace $0x90000047  }
0x49: {  	s0 =	sadd.s32 @!p0 $0x100000, s0;
	[bflag:$0x2] =	sbarrier.arrive $0xFFFF  }
0x4a: {  	[sflag:s0] =	ssyncadd.tile.s32 @!p0 $0x1;
	_ =	shalt  }
.Lfunc_end2:
_tile_overlayer_lowered:
.L_overlay_start_2:
0x4b: {  	(tag) =	ssettag $0x2  }
0x4c: {  	s0 =	rddreg [dreg:$0x0];
	s2 =	stileid.u32  }
0x4d: {  	s1 =	rddreg [dreg:$0x1];
	p0 =	sne.s32 s2, $0x0  }
0x4e: {  	s3 =	rddreg [dreg:$0x2];
	[bflag:$0x3] =	sbarrier.arrive $0xFFFF;
	s2 =	simm.s32 @!p0 $0x1C03  }
0x4f: {  	[timem:s3], [sflag:s2] =	dma.local @!p0 [hbm:s0], s1  }
0x50: {  	s0 =	simm.s32 @!p0 $0x3  }
0x51: {  	_ =	swait.ge @!p0 [sflag:s0], s1  }
0x52: {  	s1 =	ssub.s32 @!p0 $0x0, s1;
	[sflag:s0] =	ssyncset.done @!p0 $0x0  }
0x53: {  	[sflag:s0] =	ssyncadd.s32 @!p0 s1  }
0x54: {  	[bflag:$0x3] =	sbarrier.arrive $0xFFFF  }
0x55: {  	_ =	shalt  }

</sc_bundles>
